<compile_context>
chip_gen: v7x
topology: tpu7x:2x2x1
jax: 0.10.2.dev20260603
libtpu: 0.0.44.dev20260713+nightly
codegen_flags: <defaults>
</compile_context>

<pallas_src>
import functools
import math

import numpy as np
import jax
import jax.numpy as jnp
from jax import lax
from jax.experimental import pallas as pl
from jax.experimental.pallas import tpu as pltpu
from jax.experimental.pallas import tpu_sc as plsc

X = 128
B = 64
N = 100000
SIGMA = 1.0
NW = 32
IMGS_PER_W = B // NW
CH = 10000
N_CHUNKS = N // CH
L = 16

_k = np.arange(X, dtype=np.float64)
_ang = 2.0 * np.pi * np.outer(_k, _k) / X
_C_NP = np.cos(_ang).astype(np.float32)
_S_NP = np.sin(_ang).astype(np.float32)

_f = np.fft.fftfreq(X).astype(np.float64)
_R2_FULL = (_f[:, None] ** 2 + _f[None, :] ** 2)
_GAUSS_FULL = np.exp(-2.0 * (np.pi ** 2) * (SIGMA ** 2) * _R2_FULL).astype(np.float32)


def _sc_scatter(params, xs, ys, zs, vs):
    mesh = plsc.VectorSubcoreMesh(core_axis_name="c", subcore_axis_name="s",
                                  num_cores=2, num_subcores=16)

    @functools.partial(
        pl.kernel,
        out_type=jax.ShapeDtypeStruct((B, X * X), jnp.float32),
        mesh=mesh,
        compiler_params=pltpu.CompilerParams(needs_layout_passes=False),
        scratch_types=[
            pltpu.VMEM((16 * L,), jnp.float32),
            pltpu.VMEM((CH,), jnp.float32),
            pltpu.VMEM((CH,), jnp.float32),
            pltpu.VMEM((CH,), jnp.float32),
            pltpu.VMEM((CH,), jnp.float32),
            pltpu.VMEM((CH,), jnp.float32),
            pltpu.VMEM((CH,), jnp.float32),
            pltpu.VMEM((CH,), jnp.float32),
            pltpu.VMEM((CH,), jnp.float32),
            pltpu.VMEM((IMGS_PER_W * X * X,), jnp.float32),
            pltpu.SemaphoreType.DMA,
            pltpu.SemaphoreType.DMA,
        ],
    )
    def scatter_k(params_hbm, xs_hbm, ys_hbm, zs_hbm, vs_hbm, out_hbm,
                  pb, xb0, yb0, zb0, vb0, xb1, yb1, zb1, vb1, acc, sem0, sem1):
        wid = lax.axis_index("s") * 2 + lax.axis_index("c")
        pltpu.sync_copy(params_hbm.at[wid], pb)
        prm = [[pb[pl.ds((im * 8 + j) * L, L)] for j in range(8)]
               for im in range(IMGS_PER_W)]
        sems = [sem0, sem1]
        bufs = [(xb0, yb0, zb0, vb0), (xb1, yb1, zb1, vb1)]

        @plsc.parallel_loop(0, IMGS_PER_W * X * X // L, unroll=4)
        def _zero(i):
            acc[pl.ds(i * L, L)] = jnp.zeros((L,), jnp.float32)

        def _issue(c, slot):
            base = c * CH
            xb, yb, zb, vb = bufs[slot]
            pltpu.async_copy(xs_hbm.at[pl.ds(base, CH)], xb, sems[slot])
            pltpu.async_copy(ys_hbm.at[pl.ds(base, CH)], yb, sems[slot])
            pltpu.async_copy(zs_hbm.at[pl.ds(base, CH)], zb, sems[slot])
            pltpu.async_copy(vs_hbm.at[pl.ds(base, CH)], vb, sems[slot])

        def _drain(slot):
            xb, yb, zb, vb = bufs[slot]
            pltpu.make_async_copy(xs_hbm.at[pl.ds(0, CH)], xb, sems[slot]).wait()
            pltpu.make_async_copy(ys_hbm.at[pl.ds(0, CH)], yb, sems[slot]).wait()
            pltpu.make_async_copy(zs_hbm.at[pl.ds(0, CH)], zb, sems[slot]).wait()
            pltpu.make_async_copy(vs_hbm.at[pl.ds(0, CH)], vb, sems[slot]).wait()

        def _consume(slot):
            xb, yb, zb, vb = bufs[slot]

            @plsc.parallel_loop(0, CH // L, unroll=2)
            def _step(i):
                xx = xb[pl.ds(i * L, L)]
                yy = yb[pl.ds(i * L, L)]
                zz = zb[pl.ds(i * L, L)]
                vv = vb[pl.ds(i * L, L)]
                for im in range(IMGS_PER_W):
                    r00, r01, r02, r10, r11, r12, sx, sy = prm[im]
                    px = xx * r00 + yy * r01 + zz * r02 + sx
                    py = xx * r10 + yy * r11 + zz * r12 + sy
                    px = jnp.minimum(jnp.maximum(px, 0.0), 126.0)
                    py = jnp.minimum(jnp.maximum(py, 0.0), 126.0)
                    ix = px.astype(jnp.int32)
                    iy = py.astype(jnp.int32)
                    gx = px - ix.astype(jnp.float32)
                    gy = py - iy.astype(jnp.float32)
                    idx = (im * (X * X)) + iy * X + ix
                    a = vv * (1.0 - gx)
                    bwt = vv * gx
                    plsc.addupdate_scatter(acc, [idx], a * (1.0 - gy))
                    plsc.addupdate_scatter(acc, [idx + 1], bwt * (1.0 - gy))
                    plsc.addupdate_scatter(acc, [idx + X], a * gy)
                    plsc.addupdate_scatter(acc, [idx + X + 1], bwt * gy)

        _issue(0, 0)
        def _pair(t, carry):
            c0 = t * 2
            _issue(c0 + 1, 1)
            _drain(0)
            _consume(0)

            @pl.when(c0 + 2 < N_CHUNKS)
            def _():
                _issue(c0 + 2, 0)
            _drain(1)
            _consume(1)
            return carry
        lax.fori_loop(0, N_CHUNKS // 2, _pair, 0)

        for im in range(IMGS_PER_W):
            pltpu.sync_copy(acc.at[pl.ds(im * X * X, X * X)],
                            out_hbm.at[wid * IMGS_PER_W + im])

    return scatter_k(params, xs, ys, zs, vs)


def _filter_body(img_ref, h_ref, c_ref, s_ref, out_ref):
    im = img_ref[0]
    h = h_ref[0]
    c = c_ref[...]
    s = s_ref[...]
    dot = functools.partial(lax.dot, precision=lax.Precision.HIGHEST,
                            preferred_element_type=jnp.float32)
    ar = dot(c, im)
    ai = -dot(s, im)
    fr = dot(ar, c) + dot(ai, s)
    fi = dot(ai, c) - dot(ar, s)
    gr = h * fr
    gi = h * fi
    mr = dot(c, gr) - dot(s, gi)
    mi = dot(c, gi) + dot(s, gr)
    out_ref[0] = dot(mr, c) - dot(mi, s)


def _tc_filter(img, hfull, cmat, smat):
    return pl.pallas_call(
        _filter_body,
        grid=(B,),
        in_specs=[
            pl.BlockSpec((1, X, X), lambda b: (b, 0, 0)),
            pl.BlockSpec((1, X, X), lambda b: (b, 0, 0)),
            pl.BlockSpec((X, X), lambda b: (0, 0)),
            pl.BlockSpec((X, X), lambda b: (0, 0)),
        ],
        out_specs=pl.BlockSpec((1, X, X), lambda b: (b, 0, 0)),
        out_shape=jax.ShapeDtypeStruct((B, X, X), jnp.float32),
    )(img, hfull, cmat, smat)


def kernel(alignment, shifts, coords, values, ctf):
    eps = 1e-8
    a1 = alignment[:, :3]
    a2 = alignment[:, 3:]
    b1 = a1 / (jnp.linalg.norm(a1, axis=1, keepdims=True) + eps)
    a2p = a2 - jnp.sum(b1 * a2, axis=1, keepdims=True) * b1
    b2 = a2p / (jnp.linalg.norm(a2p, axis=1, keepdims=True) + eps)
    sx = shifts[:, 0:1] + X / 2.0
    sy = shifts[:, 1:2] + X / 2.0
    params = jnp.concatenate([b1, b2, sx, sy], axis=1)
    params = params.reshape(NW, IMGS_PER_W * 8)
    params = jnp.repeat(params, L, axis=1)

    xs = coords[:, 0]
    ys = coords[:, 1]
    zs = coords[:, 2]
    img_flat = _sc_scatter(params, xs, ys, zs, values)

    ctf_ext = jnp.roll(ctf[:, ::-1, 1:X // 2], 1, axis=1)[..., ::-1]
    ctf_full = jnp.concatenate([ctf, ctf_ext], axis=-1)
    hfull = ctf_full * (jnp.asarray(_GAUSS_FULL) / (X * X))[None]

    cmat = jnp.asarray(_C_NP)
    smat = jnp.asarray(_S_NP)
    return _tc_filter(img_flat.reshape(B, X, X), hfull, cmat, smat)

# --- scband reference (transcript-rebuilt; emitter-appended) ---
"""Pipeline reference for scband-decoder-31705448579434 (READ-ONLY COPY).

The authoritative reference and input builder live on the scoring server;
editing this copy changes nothing except your own understanding.
"""

import jax, jax.numpy as jnp
import numpy as np

XSIZE = 128
N_POINTS = 100000
BATCH = 64
SIGMA = 1.0


def setup_inputs(seed: int = 0) -> dict:
    key = jax.random.key(seed)
    k1, k2, k3, k4, k5 = jax.random.split(key, 5)
    # per-image alignment: 6D continuous rotation representation
    alignment = jax.random.normal(k1, (BATCH, 6), dtype=jnp.float32)
    # per-image in-plane shifts (pixels)
    shifts = 2.0 * jax.random.normal(k2, (BATCH, 2), dtype=jnp.float32)
    # reference structure: point cloud (atoms) + intensities (generator parameters)
    coords = (jax.random.uniform(k3, (N_POINTS, 3), dtype=jnp.float32) - 0.5) * (0.35 * XSIZE)
    values = jax.random.uniform(k4, (N_POINTS,), dtype=jnp.float32)
    # per-image CTF in rfft2 layout [B, X, X//2+1]
    defocus = jax.random.uniform(k5, (BATCH,), minval=0.5, maxval=2.0, dtype=jnp.float32)
    fy = jnp.asarray(np.fft.fftfreq(XSIZE), dtype=jnp.float32)
    fx = jnp.asarray(np.fft.rfftfreq(XSIZE), dtype=jnp.float32)
    r2 = fy[:, None] ** 2 + fx[None, :] ** 2
    ctf = jnp.sin(jnp.pi * 500.0 * defocus[:, None, None] * r2[None, :, :]).astype(jnp.float32)
    return {"alignment": alignment, "shifts": shifts, "coords": coords, "values": values, "ctf": ctf}


def reference(alignment, shifts, coords, values, ctf):
    B = alignment.shape[0]
    X = XSIZE
    eps = 1e-8
    # applyAlignmentEuler: 6D representation -> rotation matrix (Gram-Schmidt),
    # then rotate structure coords and project onto x/y axes (axis 0 and 1)
    a1 = alignment[:, :3]
    a2 = alignment[:, 3:]
    b1 = a1 / (jnp.linalg.norm(a1, axis=1, keepdims=True) + eps)
    a2p = a2 - jnp.sum(b1 * a2, axis=1, keepdims=True) * b1
    b2 = a2p / (jnp.linalg.norm(a2p, axis=1, keepdims=True) + eps)
    b3 = jnp.cross(b1, b2)
    R = jnp.stack([b1, b2, b3], axis=1)  # [B, 3, 3]
    rot = jnp.einsum('bij,nj->bni', R, coords)  # [B, N, 3]
    # applyShifts: add per-image 2D shift to projected coordinates
    cx = rot[..., 0] + shifts[:, 0:1]
    cy = rot[..., 1] + shifts[:, 1:2]
    # scatterImgByPass: bilinear scatter-add of point intensities into images
    px = cx + X / 2.0
    py = cy + X / 2.0
    x0 = jnp.floor(px)
    y0 = jnp.floor(py)
    fx = px - x0
    fy = py - y0
    ix = jnp.clip(x0.astype(jnp.int32), 0, X - 2)
    iy = jnp.clip(y0.astype(jnp.int32), 0, X - 2)
    boff = (jnp.arange(B, dtype=jnp.int32) * (X * X))[:, None]
    base = boff + iy * X + ix  # [B, N]
    v = values[None, :]
    flat = jnp.zeros((B * X * X,), dtype=jnp.float32)
    flat = flat.at[base].add(v * (1.0 - fx) * (1.0 - fy))
    flat = flat.at[base + 1].add(v * fx * (1.0 - fy))
    flat = flat.at[base + X].add(v * (1.0 - fx) * fy)
    flat = flat.at[base + X + 1].add(v * fx * fy)
    img = flat.reshape(B, X, X)
    # gaussianFilterImage + ctfFilterImage: Fourier-space filtering
    F = jnp.fft.rfft2(img)
    fyv = jnp.asarray(np.fft.fftfreq(X), dtype=jnp.float32)
    fxv = jnp.asarray(np.fft.rfftfreq(X), dtype=jnp.float32)
    r2 = fyv[:, None] ** 2 + fxv[None, :] ** 2
    gauss = jnp.exp(-2.0 * (jnp.pi ** 2) * (SIGMA ** 2) * r2)
    decoded = jnp.fft.irfft2(F * gauss[None, :, :] * ctf, s=(X, X))
    return decoded.astype(jnp.float32)

if __name__ == "__main__":
    import jax
    _d = setup_inputs()
    print(jax.jit(kernel)(*tuple(_d.values())))

</pallas_src>

<mosaic_0001>
#map = affine_map<(d0, d1) -> (0, 0)>
#map1 = affine_map<(d0, d1) -> (0)>
module attributes {stable_mosaic.version = 14 : i64} {
  func.func @scatter_k(%arg0: i32, %arg1: i32, %arg2: memref<32x256xf32, #tpu.memory_space<hbm>>, %arg3: memref<100000xf32, #tpu.memory_space<hbm>>, %arg4: memref<100000xf32, #tpu.memory_space<hbm>>, %arg5: memref<100000xf32, #tpu.memory_space<hbm>>, %arg6: memref<100000xf32, #tpu.memory_space<hbm>>, %arg7: memref<64x16384xf32, #tpu.memory_space<hbm>>, %arg8: memref<256xf32, #tpu.memory_space<vmem>>, %arg9: memref<10000xf32, #tpu.memory_space<vmem>>, %arg10: memref<10000xf32, #tpu.memory_space<vmem>>, %arg11: memref<10000xf32, #tpu.memory_space<vmem>>, %arg12: memref<10000xf32, #tpu.memory_space<vmem>>, %arg13: memref<10000xf32, #tpu.memory_space<vmem>>, %arg14: memref<10000xf32, #tpu.memory_space<vmem>>, %arg15: memref<10000xf32, #tpu.memory_space<vmem>>, %arg16: memref<10000xf32, #tpu.memory_space<vmem>>, %arg17: memref<32768xf32, #tpu.memory_space<vmem>>, %arg18: memref<!tpu.dma_semaphore, #tpu.memory_space<semaphore_mem>>, %arg19: memref<!tpu.dma_semaphore, #tpu.memory_space<semaphore_mem>>) attributes {dimension_semantics = [#tpu.dimension_semantics<core_parallel>, #tpu.dimension_semantics<subcore_parallel>], iteration_bounds = array<i64: 2, 16>, scalar_prefetch = 0 : i64, scratch_operands = 12 : i64, tpu.core_type = #tpu.core_type<sc_vector_subcore>, window_params = [{transform_indices = #map}, {transform_indices = #map1}, {transform_indices = #map1}, {transform_indices = #map1}, {transform_indices = #map1}, {transform_indices = #map}]} {
    %mul3A = arith.constant 2 : i32
    %mul3A_0 = arith.muli %arg1, %mul3A : i32
    %add3A = arith.addi %mul3A_0, %arg0 : i32
    "tpu.region"() ({
      %run_scoped3A = tpu.sem_alloc : memref<!tpu.dma_semaphore, #tpu.memory_space<semaphore_mem>>
      %dma_start3A_62 = arith.constant 0 : i32
      %dma_start3A_63 = tpu.memref_slice %arg2[%add3A, %dma_start3A_62] : memref<32x256xf32, #tpu.memory_space<hbm>> -> memref<1x256xf32, #tpu.memory_space<hbm>>
      %dma_start3A_64 = tpu.memref_squeeze %dma_start3A_63 : memref<1x256xf32, #tpu.memory_space<hbm>> -> memref<256xf32, #tpu.memory_space<hbm>>
      %dma_start3A_65 = arith.constant 0 : i32
      %dma_start3A_66 = tpu.memref_slice %arg2[%add3A, %dma_start3A_65] : memref<32x256xf32, #tpu.memory_space<hbm>> -> memref<1x256xf32, #tpu.memory_space<hbm>>
      %dma_start3A_67 = tpu.memref_squeeze %dma_start3A_66 : memref<1x256xf32, #tpu.memory_space<hbm>> -> memref<256xf32, #tpu.memory_space<hbm>>
      tpu.enqueue_dma source(%dma_start3A_67 : memref<256xf32, #tpu.memory_space<hbm>>) target(%arg8 : memref<256xf32, #tpu.memory_space<vmem>>) target_semaphore(%run_scoped3A : memref<!tpu.dma_semaphore, #tpu.memory_space<semaphore_mem>>)
      %dma_wait3A = arith.constant 0 : i32
      %dma_wait3A_68 = tpu.memref_slice %arg2[%add3A, %dma_wait3A] : memref<32x256xf32, #tpu.memory_space<hbm>> -> memref<1x256xf32, #tpu.memory_space<hbm>>
      %dma_wait3A_69 = tpu.memref_squeeze %dma_wait3A_68 : memref<1x256xf32, #tpu.memory_space<hbm>> -> memref<256xf32, #tpu.memory_space<hbm>>
      %dma_wait3A_70 = arith.constant 0 : i32
      %dma_wait3A_71 = tpu.memref_slice %arg2[%add3A, %dma_wait3A_70] : memref<32x256xf32, #tpu.memory_space<hbm>> -> memref<1x256xf32, #tpu.memory_space<hbm>>
      %dma_wait3A_72 = tpu.memref_squeeze %dma_wait3A_71 : memref<1x256xf32, #tpu.memory_space<hbm>> -> memref<256xf32, #tpu.memory_space<hbm>>
      tpu.wait_dma2 semaphore(%run_scoped3A : memref<!tpu.dma_semaphore, #tpu.memory_space<semaphore_mem>>) src(%dma_wait3A_72 : memref<256xf32, #tpu.memory_space<hbm>>) dst(%arg8 : memref<256xf32, #tpu.memory_space<vmem>>)
      tpu.yield
    }) : () -> ()
    %get3A = arith.constant 0 : index
    %get3A_1 = tpu.vector_load %arg8[%get3A] {strides = array<i32>} : memref<256xf32, #tpu.memory_space<vmem>>, vector<16xf32>,
    %get3A_2 = arith.constant 16 : index
    %get3A_3 = tpu.vector_load %arg8[%get3A_2] {strides = array<i32>} : memref<256xf32, #tpu.memory_space<vmem>>, vector<16xf32>,
    %get3A_4 = arith.constant 32 : index
    %get3A_5 = tpu.vector_load %arg8[%get3A_4] {strides = array<i32>} : memref<256xf32, #tpu.memory_space<vmem>>, vector<16xf32>,
    %get3A_6 = arith.constant 48 : index
    %get3A_7 = tpu.vector_load %arg8[%get3A_6] {strides = array<i32>} : memref<256xf32, #tpu.memory_space<vmem>>, vector<16xf32>,
    %get3A_8 = arith.constant 64 : index
    %get3A_9 = tpu.vector_load %arg8[%get3A_8] {strides = array<i32>} : memref<256xf32, #tpu.memory_space<vmem>>, vector<16xf32>,
    %get3A_10 = arith.constant 80 : index
    %get3A_11 = tpu.vector_load %arg8[%get3A_10] {strides = array<i32>} : memref<256xf32, #tpu.memory_space<vmem>>, vector<16xf32>,
    %get3A_12 = arith.constant 96 : index
    %get3A_13 = tpu.vector_load %arg8[%get3A_12] {strides = array<i32>} : memref<256xf32, #tpu.memory_space<vmem>>, vector<16xf32>,
    %get3A_14 = arith.constant 112 : index
    %get3A_15 = tpu.vector_load %arg8[%get3A_14] {strides = array<i32>} : memref<256xf32, #tpu.memory_space<vmem>>, vector<16xf32>,
    %get3A_16 = arith.constant 128 : index
    %get3A_17 = tpu.vector_load %arg8[%get3A_16] {strides = array<i32>} : memref<256xf32, #tpu.memory_space<vmem>>, vector<16xf32>,
    %get3A_18 = arith.constant 144 : index
    %get3A_19 = tpu.vector_load %arg8[%get3A_18] {strides = array<i32>} : memref<256xf32, #tpu.memory_space<vmem>>, vector<16xf32>,
    %get3A_20 = arith.constant 160 : index
    %get3A_21 = tpu.vector_load %arg8[%get3A_20] {strides = array<i32>} : memref<256xf32, #tpu.memory_space<vmem>>, vector<16xf32>,
    %get3A_22 = arith.constant 176 : index
    %get3A_23 = tpu.vector_load %arg8[%get3A_22] {strides = array<i32>} : memref<256xf32, #tpu.memory_space<vmem>>, vector<16xf32>,
    %get3A_24 = arith.constant 192 : index
    %get3A_25 = tpu.vector_load %arg8[%get3A_24] {strides = array<i32>} : memref<256xf32, #tpu.memory_space<vmem>>, vector<16xf32>,
    %get3A_26 = arith.constant 208 : index
    %get3A_27 = tpu.vector_load %arg8[%get3A_26] {strides = array<i32>} : memref<256xf32, #tpu.memory_space<vmem>>, vector<16xf32>,
    %get3A_28 = arith.constant 224 : index
    %get3A_29 = tpu.vector_load %arg8[%get3A_28] {strides = array<i32>} : memref<256xf32, #tpu.memory_space<vmem>>, vector<16xf32>,
    %get3A_30 = arith.constant 240 : index
    %get3A_31 = tpu.vector_load %arg8[%get3A_30] {strides = array<i32>} : memref<256xf32, #tpu.memory_space<vmem>>, vector<16xf32>,
    %parallel_loop3A = arith.constant 0 : i32
    %parallel_loop3A_32 = arith.constant 2048 : i32
    %parallel_loop3A_33 = arith.constant 1 : i32
    scf.for %parallel_loop3A_62 = %parallel_loop3A to %parallel_loop3A_32 step %parallel_loop3A_33  : i32 {
      %parallel_loop3A_63 = arith.constant 0.000000e+00 : f32
      %parallel_loop3A_64 = vector.broadcast %parallel_loop3A_63 : f32 to vector<16xf32>
      %parallel_loop3A_65 = arith.constant 16 : i32
      %parallel_loop3A_66 = arith.muli %parallel_loop3A_62, %parallel_loop3A_65 : i32
      %parallel_loop3A_67 = arith.index_cast %parallel_loop3A_66 : i32 to index
      %parallel_loop3A_68 = tpu.vector_load %arg17[%parallel_loop3A_67] {strides = array<i32>} : memref<32768xf32, #tpu.memory_space<vmem>>, vector<16xf32>,
      tpu.vector_store %arg17[%parallel_loop3A_67], %parallel_loop3A_64 {strides = array<i32>} : memref<32768xf32, #tpu.memory_space<vmem>>, vector<16xf32>,
    } {sc.loop_unroll_factor = 4 : i64, sc.parallel_access}
    %dma_start3A = arith.constant 0 : i32
    %dma_start3A_34 = tpu.memref_slice %arg3[%dma_start3A] : memref<100000xf32, #tpu.memory_space<hbm>> -> memref<10000xf32, #tpu.memory_space<hbm>>
    %dma_start3A_35 = arith.constant 0 : i32
    %dma_start3A_36 = tpu.memref_slice %arg3[%dma_start3A_35] : memref<100000xf32, #tpu.memory_space<hbm>> -> memref<10000xf32, #tpu.memory_space<hbm>>
    tpu.enqueue_dma source(%dma_start3A_36 : memref<10000xf32, #tpu.memory_space<hbm>>) target(%arg9 : memref<10000xf32, #tpu.memory_space<vmem>>) target_semaphore(%arg18 : memref<!tpu.dma_semaphore, #tpu.memory_space<semaphore_mem>>)
    %dma_start3A_37 = arith.constant 0 : i32
    %dma_start3A_38 = tpu.memref_slice %arg4[%dma_start3A_37] : memref<100000xf32, #tpu.memory_space<hbm>> -> memref<10000xf32, #tpu.memory_space<hbm>>
    %dma_start3A_39 = arith.constant 0 : i32
    %dma_start3A_40 = tpu.memref_slice %arg4[%dma_start3A_39] : memref<100000xf32, #tpu.memory_space<hbm>> -> memref<10000xf32, #tpu.memory_space<hbm>>
    tpu.enqueue_dma source(%dma_start3A_40 : memref<10000xf32, #tpu.memory_space<hbm>>) target(%arg10 : memref<10000xf32, #tpu.memory_space<vmem>>) target_semaphore(%arg18 : memref<!tpu.dma_semaphore, #tpu.memory_space<semaphore_mem>>)
    %dma_start3A_41 = arith.constant 0 : i32
    %dma_start3A_42 = tpu.memref_slice %arg5[%dma_start3A_41] : memref<100000xf32, #tpu.memory_space<hbm>> -> memref<10000xf32, #tpu.memory_space<hbm>>
    %dma_start3A_43 = arith.constant 0 : i32
    %dma_start3A_44 = tpu.memref_slice %arg5[%dma_start3A_43] : memref<100000xf32, #tpu.memory_space<hbm>> -> memref<10000xf32, #tpu.memory_space<hbm>>
    tpu.enqueue_dma source(%dma_start3A_44 : memref<10000xf32, #tpu.memory_space<hbm>>) target(%arg11 : memref<10000xf32, #tpu.memory_space<vmem>>) target_semaphore(%arg18 : memref<!tpu.dma_semaphore, #tpu.memory_space<semaphore_mem>>)
    %dma_start3A_45 = arith.constant 0 : i32
    %dma_start3A_46 = tpu.memref_slice %arg6[%dma_start3A_45] : memref<100000xf32, #tpu.memory_space<hbm>> -> memref<10000xf32, #tpu.memory_space<hbm>>
    %dma_start3A_47 = arith.constant 0 : i32
    %dma_start3A_48 = tpu.memref_slice %arg6[%dma_start3A_47] : memref<100000xf32, #tpu.memory_space<hbm>> -> memref<10000xf32, #tpu.memory_space<hbm>>
    tpu.enqueue_dma source(%dma_start3A_48 : memref<10000xf32, #tpu.memory_space<hbm>>) target(%arg12 : memref<10000xf32, #tpu.memory_space<vmem>>) target_semaphore(%arg18 : memref<!tpu.dma_semaphore, #tpu.memory_space<semaphore_mem>>)
    %scan3A = arith.constant 0 : i32
    %scan3A_49 = arith.constant 0 : i32
    %scan3A_50 = arith.constant 5 : i32
    %scan3A_51 = arith.addi %scan3A_49, %scan3A_50 : i32
    %scan3A_52 = arith.constant 1 : i32
    scf.for %scan3A_62 = %scan3A_49 to %scan3A_51 step %scan3A_52  : i32 {
      %mul3A_63 = arith.constant 2 : i32
      %mul3A_64 = arith.muli %scan3A_62, %mul3A_63 : i32
      %add3A_65 = arith.constant 1 : i32
      %add3A_66 = arith.addi %mul3A_64, %add3A_65 : i32
      %mul3A_67 = arith.constant 10000 : i32
      %mul3A_68 = arith.muli %add3A_66, %mul3A_67 : i32
      %dma_start3A_69 = tpu.memref_slice %arg3[%mul3A_68] : memref<100000xf32, #tpu.memory_space<hbm>> -> memref<10000xf32, #tpu.memory_space<hbm>>
      %dma_start3A_70 = tpu.memref_slice %arg3[%mul3A_68] : memref<100000xf32, #tpu.memory_space<hbm>> -> memref<10000xf32, #tpu.memory_space<hbm>>
      tpu.enqueue_dma source(%dma_start3A_70 : memref<10000xf32, #tpu.memory_space<hbm>>) target(%arg13 : memref<10000xf32, #tpu.memory_space<vmem>>) target_semaphore(%arg19 : memref<!tpu.dma_semaphore, #tpu.memory_space<semaphore_mem>>)
      %dma_start3A_71 = tpu.memref_slice %arg4[%mul3A_68] : memref<100000xf32, #tpu.memory_space<hbm>> -> memref<10000xf32, #tpu.memory_space<hbm>>
      %dma_start3A_72 = tpu.memref_slice %arg4[%mul3A_68] : memref<100000xf32, #tpu.memory_space<hbm>> -> memref<10000xf32, #tpu.memory_space<hbm>>
      tpu.enqueue_dma source(%dma_start3A_72 : memref<10000xf32, #tpu.memory_space<hbm>>) target(%arg14 : memref<10000xf32, #tpu.memory_space<vmem>>) target_semaphore(%arg19 : memref<!tpu.dma_semaphore, #tpu.memory_space<semaphore_mem>>)
      %dma_start3A_73 = tpu.memref_slice %arg5[%mul3A_68] : memref<100000xf32, #tpu.memory_space<hbm>> -> memref<10000xf32, #tpu.memory_space<hbm>>
      %dma_start3A_74 = tpu.memref_slice %arg5[%mul3A_68] : memref<100000xf32, #tpu.memory_space<hbm>> -> memref<10000xf32, #tpu.memory_space<hbm>>
      tpu.enqueue_dma source(%dma_start3A_74 : memref<10000xf32, #tpu.memory_space<hbm>>) target(%arg15 : memref<10000xf32, #tpu.memory_space<vmem>>) target_semaphore(%arg19 : memref<!tpu.dma_semaphore, #tpu.memory_space<semaphore_mem>>)
      %dma_start3A_75 = tpu.memref_slice %arg6[%mul3A_68] : memref<100000xf32, #tpu.memory_space<hbm>> -> memref<10000xf32, #tpu.memory_space<hbm>>
      %dma_start3A_76 = tpu.memref_slice %arg6[%mul3A_68] : memref<100000xf32, #tpu.memory_space<hbm>> -> memref<10000xf32, #tpu.memory_space<hbm>>
      tpu.enqueue_dma source(%dma_start3A_76 : memref<10000xf32, #tpu.memory_space<hbm>>) target(%arg16 : memref<10000xf32, #tpu.memory_space<vmem>>) target_semaphore(%arg19 : memref<!tpu.dma_semaphore, #tpu.memory_space<semaphore_mem>>)
      %dma_wait3A = arith.constant 0 : i32
      %dma_wait3A_77 = tpu.memref_slice %arg3[%dma_wait3A] : memref<100000xf32, #tpu.memory_space<hbm>> -> memref<10000xf32, #tpu.memory_space<hbm>>
      %dma_wait3A_78 = arith.constant 0 : i32
      %dma_wait3A_79 = tpu.memref_slice %arg3[%dma_wait3A_78] : memref<100000xf32, #tpu.memory_space<hbm>> -> memref<10000xf32, #tpu.memory_space<hbm>>
      tpu.wait_dma2 semaphore(%arg18 : memref<!tpu.dma_semaphore, #tpu.memory_space<semaphore_mem>>) src(%dma_wait3A_79 : memref<10000xf32, #tpu.memory_space<hbm>>) dst(%arg9 : memref<10000xf32, #tpu.memory_space<vmem>>)
      %dma_wait3A_80 = arith.constant 0 : i32
      %dma_wait3A_81 = tpu.memref_slice %arg4[%dma_wait3A_80] : memref<100000xf32, #tpu.memory_space<hbm>> -> memref<10000xf32, #tpu.memory_space<hbm>>
      %dma_wait3A_82 = arith.constant 0 : i32
      %dma_wait3A_83 = tpu.memref_slice %arg4[%dma_wait3A_82] : memref<100000xf32, #tpu.memory_space<hbm>> -> memref<10000xf32, #tpu.memory_space<hbm>>
      tpu.wait_dma2 semaphore(%arg18 : memref<!tpu.dma_semaphore, #tpu.memory_space<semaphore_mem>>) src(%dma_wait3A_83 : memref<10000xf32, #tpu.memory_space<hbm>>) dst(%arg10 : memref<10000xf32, #tpu.memory_space<vmem>>)
      %dma_wait3A_84 = arith.constant 0 : i32
      %dma_wait3A_85 = tpu.memref_slice %arg5[%dma_wait3A_84] : memref<100000xf32, #tpu.memory_space<hbm>> -> memref<10000xf32, #tpu.memory_space<hbm>>
      %dma_wait3A_86 = arith.constant 0 : i32
      %dma_wait3A_87 = tpu.memref_slice %arg5[%dma_wait3A_86] : memref<100000xf32, #tpu.memory_space<hbm>> -> memref<10000xf32, #tpu.memory_space<hbm>>
      tpu.wait_dma2 semaphore(%arg18 : memref<!tpu.dma_semaphore, #tpu.memory_space<semaphore_mem>>) src(%dma_wait3A_87 : memref<10000xf32, #tpu.memory_space<hbm>>) dst(%arg11 : memref<10000xf32, #tpu.memory_space<vmem>>)
      %dma_wait3A_88 = arith.constant 0 : i32
      %dma_wait3A_89 = tpu.memref_slice %arg6[%dma_wait3A_88] : memref<100000xf32, #tpu.memory_space<hbm>> -> memref<10000xf32, #tpu.memory_space<hbm>>
      %dma_wait3A_90 = arith.constant 0 : i32
      %dma_wait3A_91 = tpu.memref_slice %arg6[%dma_wait3A_90] : memref<100000xf32, #tpu.memory_space<hbm>> -> memref<10000xf32, #tpu.memory_space<hbm>>
      tpu.wait_dma2 semaphore(%arg18 : memref<!tpu.dma_semaphore, #tpu.memory_space<semaphore_mem>>) src(%dma_wait3A_91 : memref<10000xf32, #tpu.memory_space<hbm>>) dst(%arg12 : memref<10000xf32, #tpu.memory_space<vmem>>)
      %parallel_loop3A_92 = arith.constant 0 : i32
      %parallel_loop3A_93 = arith.constant 625 : i32
      %parallel_loop3A_94 = arith.constant 1 : i32
      scf.for %parallel_loop3A_118 = %parallel_loop3A_92 to %parallel_loop3A_93 step %parallel_loop3A_94  : i32 {
        %parallel_loop3A_119 = arith.constant 16 : i32
        %parallel_loop3A_120 = arith.muli %parallel_loop3A_118, %parallel_loop3A_119 : i32
        %parallel_loop3A_121 = arith.index_cast %parallel_loop3A_120 : i32 to index
        %parallel_loop3A_122 = tpu.vector_load %arg9[%parallel_loop3A_121] {strides = array<i32>} : memref<10000xf32, #tpu.memory_space<vmem>>, vector<16xf32>,
        %parallel_loop3A_123 = arith.constant 16 : i32
        %parallel_loop3A_124 = arith.muli %parallel_loop3A_118, %parallel_loop3A_123 : i32
        %parallel_loop3A_125 = arith.index_cast %parallel_loop3A_124 : i32 to index
        %parallel_loop3A_126 = tpu.vector_load %arg10[%parallel_loop3A_125] {strides = array<i32>} : memref<10000xf32, #tpu.memory_space<vmem>>, vector<16xf32>,
        %parallel_loop3A_127 = arith.constant 16 : i32
        %parallel_loop3A_128 = arith.muli %parallel_loop3A_118, %parallel_loop3A_127 : i32
        %parallel_loop3A_129 = arith.index_cast %parallel_loop3A_128 : i32 to index
        %parallel_loop3A_130 = tpu.vector_load %arg11[%parallel_loop3A_129] {strides = array<i32>} : memref<10000xf32, #tpu.memory_space<vmem>>, vector<16xf32>,
        %parallel_loop3A_131 = arith.constant 16 : i32
        %parallel_loop3A_132 = arith.muli %parallel_loop3A_118, %parallel_loop3A_131 : i32
        %parallel_loop3A_133 = arith.index_cast %parallel_loop3A_132 : i32 to index
        %parallel_loop3A_134 = tpu.vector_load %arg12[%parallel_loop3A_133] {strides = array<i32>} : memref<10000xf32, #tpu.memory_space<vmem>>, vector<16xf32>,
        %parallel_loop3A_135 = arith.mulf %parallel_loop3A_122, %get3A_1 : vector<16xf32>
        %parallel_loop3A_136 = arith.mulf %parallel_loop3A_126, %get3A_3 : vector<16xf32>
        %parallel_loop3A_137 = arith.addf %parallel_loop3A_135, %parallel_loop3A_136 : vector<16xf32>
        %parallel_loop3A_138 = arith.mulf %parallel_loop3A_130, %get3A_5 : vector<16xf32>
        %parallel_loop3A_139 = arith.addf %parallel_loop3A_137, %parallel_loop3A_138 : vector<16xf32>
        %parallel_loop3A_140 = arith.addf %parallel_loop3A_139, %get3A_13 : vector<16xf32>
        %parallel_loop3A_141 = arith.mulf %parallel_loop3A_122, %get3A_7 : vector<16xf32>
        %parallel_loop3A_142 = arith.mulf %parallel_loop3A_126, %get3A_9 : vector<16xf32>
        %parallel_loop3A_143 = arith.addf %parallel_loop3A_141, %parallel_loop3A_142 : vector<16xf32>
        %parallel_loop3A_144 = arith.mulf %parallel_loop3A_130, %get3A_11 : vector<16xf32>
        %parallel_loop3A_145 = arith.addf %parallel_loop3A_143, %parallel_loop3A_144 : vector<16xf32>
        %parallel_loop3A_146 = arith.addf %parallel_loop3A_145, %get3A_15 : vector<16xf32>
        %parallel_loop3A_147 = arith.constant 0.000000e+00 : f32
        %parallel_loop3A_148 = vector.broadcast %parallel_loop3A_147 : f32 to vector<16xf32>
        %parallel_loop3A_149 = arith.maximumf %parallel_loop3A_140, %parallel_loop3A_148 : vector<16xf32>
        %parallel_loop3A_150 = arith.constant 1.260000e+02 : f32
        %parallel_loop3A_151 = vector.broadcast %parallel_loop3A_150 : f32 to vector<16xf32>
        %parallel_loop3A_152 = arith.minimumf %parallel_loop3A_149, %parallel_loop3A_151 : vector<16xf32>
        %parallel_loop3A_153 = arith.constant 0.000000e+00 : f32
        %parallel_loop3A_154 = vector.broadcast %parallel_loop3A_153 : f32 to vector<16xf32>
        %parallel_loop3A_155 = arith.maximumf %parallel_loop3A_146, %parallel_loop3A_154 : vector<16xf32>
        %parallel_loop3A_156 = arith.constant 1.260000e+02 : f32
        %parallel_loop3A_157 = vector.broadcast %parallel_loop3A_156 : f32 to vector<16xf32>
        %parallel_loop3A_158 = arith.minimumf %parallel_loop3A_155, %parallel_loop3A_157 : vector<16xf32>
        %parallel_loop3A_159 = arith.fptosi %parallel_loop3A_152 : vector<16xf32> to vector<16xi32>
        %parallel_loop3A_160 = arith.fptosi %parallel_loop3A_158 : vector<16xf32> to vector<16xi32>
        %parallel_loop3A_161 = arith.sitofp %parallel_loop3A_159 : vector<16xi32> to vector<16xf32>
        %parallel_loop3A_162 = arith.subf %parallel_loop3A_152, %parallel_loop3A_161 : vector<16xf32>
        %parallel_loop3A_163 = arith.sitofp %parallel_loop3A_160 : vector<16xi32> to vector<16xf32>
        %parallel_loop3A_164 = arith.subf %parallel_loop3A_158, %parallel_loop3A_163 : vector<16xf32>
        %parallel_loop3A_165 = arith.constant 128 : i32
        %parallel_loop3A_166 = vector.broadcast %parallel_loop3A_165 : i32 to vector<16xi32>
        %parallel_loop3A_167 = arith.muli %parallel_loop3A_160, %parallel_loop3A_166 : vector<16xi32>
        %parallel_loop3A_168 = arith.constant 0 : i32
        %parallel_loop3A_169 = vector.broadcast %parallel_loop3A_168 : i32 to vector<16xi32>
        %parallel_loop3A_170 = arith.addi %parallel_loop3A_169, %parallel_loop3A_167 : vector<16xi32>
        %parallel_loop3A_171 = arith.addi %parallel_loop3A_170, %parallel_loop3A_159 : vector<16xi32>
        %parallel_loop3A_172 = arith.constant 1.000000e+00 : f32
        %parallel_loop3A_173 = vector.broadcast %parallel_loop3A_172 : f32 to vector<16xf32>
        %parallel_loop3A_174 = arith.subf %parallel_loop3A_173, %parallel_loop3A_162 : vector<16xf32>
        %parallel_loop3A_175 = arith.mulf %parallel_loop3A_134, %parallel_loop3A_174 : vector<16xf32>
        %parallel_loop3A_176 = arith.mulf %parallel_loop3A_134, %parallel_loop3A_162 : vector<16xf32>
        %parallel_loop3A_177 = arith.constant 1.000000e+00 : f32
        %parallel_loop3A_178 = vector.broadcast %parallel_loop3A_177 : f32 to vector<16xf32>
        %parallel_loop3A_179 = arith.subf %parallel_loop3A_178, %parallel_loop3A_164 : vector<16xf32>
        %parallel_loop3A_180 = arith.mulf %parallel_loop3A_175, %parallel_loop3A_179 : vector<16xf32>
        tpu.vector_store_idx %arg17[%parallel_loop3A_171], %parallel_loop3A_180 {add = true} : memref<32768xf32, #tpu.memory_space<vmem>>[vector<16xi32>], vector<16xf32>,
        %parallel_loop3A_181 = arith.constant 1 : i32
        %parallel_loop3A_182 = vector.broadcast %parallel_loop3A_181 : i32 to vector<16xi32>
        %parallel_loop3A_183 = arith.addi %parallel_loop3A_171, %parallel_loop3A_182 : vector<16xi32>
        %parallel_loop3A_184 = arith.constant 1.000000e+00 : f32
        %parallel_loop3A_185 = vector.broadcast %parallel_loop3A_184 : f32 to vector<16xf32>
        %parallel_loop3A_186 = arith.subf %parallel_loop3A_185, %parallel_loop3A_164 : vector<16xf32>
        %parallel_loop3A_187 = arith.mulf %parallel_loop3A_176, %parallel_loop3A_186 : vector<16xf32>
        tpu.vector_store_idx %arg17[%parallel_loop3A_183], %parallel_loop3A_187 {add = true} : memref<32768xf32, #tpu.memory_space<vmem>>[vector<16xi32>], vector<16xf32>,
        %parallel_loop3A_188 = arith.constant 128 : i32
        %parallel_loop3A_189 = vector.broadcast %parallel_loop3A_188 : i32 to vector<16xi32>
        %parallel_loop3A_190 = arith.addi %parallel_loop3A_171, %parallel_loop3A_189 : vector<16xi32>
        %parallel_loop3A_191 = arith.mulf %parallel_loop3A_175, %parallel_loop3A_164 : vector<16xf32>
        tpu.vector_store_idx %arg17[%parallel_loop3A_190], %parallel_loop3A_191 {add = true} : memref<32768xf32, #tpu.memory_space<vmem>>[vector<16xi32>], vector<16xf32>,
        %parallel_loop3A_192 = arith.constant 128 : i32
        %parallel_loop3A_193 = vector.broadcast %parallel_loop3A_192 : i32 to vector<16xi32>
        %parallel_loop3A_194 = arith.addi %parallel_loop3A_171, %parallel_loop3A_193 : vector<16xi32>
        %parallel_loop3A_195 = arith.constant 1 : i32
        %parallel_loop3A_196 = vector.broadcast %parallel_loop3A_195 : i32 to vector<16xi32>
        %parallel_loop3A_197 = arith.addi %parallel_loop3A_194, %parallel_loop3A_196 : vector<16xi32>
        %parallel_loop3A_198 = arith.mulf %parallel_loop3A_176, %parallel_loop3A_164 : vector<16xf32>
        tpu.vector_store_idx %arg17[%parallel_loop3A_197], %parallel_loop3A_198 {add = true} : memref<32768xf32, #tpu.memory_space<vmem>>[vector<16xi32>], vector<16xf32>,
        %parallel_loop3A_199 = arith.mulf %parallel_loop3A_122, %get3A_17 : vector<16xf32>
        %parallel_loop3A_200 = arith.mulf %parallel_loop3A_126, %get3A_19 : vector<16xf32>
        %parallel_loop3A_201 = arith.addf %parallel_loop3A_199, %parallel_loop3A_200 : vector<16xf32>
        %parallel_loop3A_202 = arith.mulf %parallel_loop3A_130, %get3A_21 : vector<16xf32>
        %parallel_loop3A_203 = arith.addf %parallel_loop3A_201, %parallel_loop3A_202 : vector<16xf32>
        %parallel_loop3A_204 = arith.addf %parallel_loop3A_203, %get3A_29 : vector<16xf32>
        %parallel_loop3A_205 = arith.mulf %parallel_loop3A_122, %get3A_23 : vector<16xf32>
        %parallel_loop3A_206 = arith.mulf %parallel_loop3A_126, %get3A_25 : vector<16xf32>
        %parallel_loop3A_207 = arith.addf %parallel_loop3A_205, %parallel_loop3A_206 : vector<16xf32>
        %parallel_loop3A_208 = arith.mulf %parallel_loop3A_130, %get3A_27 : vector<16xf32>
        %parallel_loop3A_209 = arith.addf %parallel_loop3A_207, %parallel_loop3A_208 : vector<16xf32>
        %parallel_loop3A_210 = arith.addf %parallel_loop3A_209, %get3A_31 : vector<16xf32>
        %parallel_loop3A_211 = arith.constant 0.000000e+00 : f32
        %parallel_loop3A_212 = vector.broadcast %parallel_loop3A_211 : f32 to vector<16xf32>
        %parallel_loop3A_213 = arith.maximumf %parallel_loop3A_204, %parallel_loop3A_212 : vector<16xf32>
        %parallel_loop3A_214 = arith.constant 1.260000e+02 : f32
        %parallel_loop3A_215 = vector.broadcast %parallel_loop3A_214 : f32 to vector<16xf32>
        %parallel_loop3A_216 = arith.minimumf %parallel_loop3A_213, %parallel_loop3A_215 : vector<16xf32>
        %parallel_loop3A_217 = arith.constant 0.000000e+00 : f32
        %parallel_loop3A_218 = vector.broadcast %parallel_loop3A_217 : f32 to vector<16xf32>
        %parallel_loop3A_219 = arith.maximumf %parallel_loop3A_210, %parallel_loop3A_218 : vector<16xf32>
        %parallel_loop3A_220 = arith.constant 1.260000e+02 : f32
        %parallel_loop3A_221 = vector.broadcast %parallel_loop3A_220 : f32 to vector<16xf32>
        %parallel_loop3A_222 = arith.minimumf %parallel_loop3A_219, %parallel_loop3A_221 : vector<16xf32>
        %parallel_loop3A_223 = arith.fptosi %parallel_loop3A_216 : vector<16xf32> to vector<16xi32>
        %parallel_loop3A_224 = arith.fptosi %parallel_loop3A_222 : vector<16xf32> to vector<16xi32>
        %parallel_loop3A_225 = arith.sitofp %parallel_loop3A_223 : vector<16xi32> to vector<16xf32>
        %parallel_loop3A_226 = arith.subf %parallel_loop3A_216, %parallel_loop3A_225 : vector<16xf32>
        %parallel_loop3A_227 = arith.sitofp %parallel_loop3A_224 : vector<16xi32> to vector<16xf32>
        %parallel_loop3A_228 = arith.subf %parallel_loop3A_222, %parallel_loop3A_227 : vector<16xf32>
        %parallel_loop3A_229 = arith.constant 128 : i32
        %parallel_loop3A_230 = vector.broadcast %parallel_loop3A_229 : i32 to vector<16xi32>
        %parallel_loop3A_231 = arith.muli %parallel_loop3A_224, %parallel_loop3A_230 : vector<16xi32>
        %parallel_loop3A_232 = arith.constant 16384 : i32
        %parallel_loop3A_233 = vector.broadcast %parallel_loop3A_232 : i32 to vector<16xi32>
        %parallel_loop3A_234 = arith.addi %parallel_loop3A_233, %parallel_loop3A_231 : vector<16xi32>
        %parallel_loop3A_235 = arith.addi %parallel_loop3A_234, %parallel_loop3A_223 : vector<16xi32>
        %parallel_loop3A_236 = arith.constant 1.000000e+00 : f32
        %parallel_loop3A_237 = vector.broadcast %parallel_loop3A_236 : f32 to vector<16xf32>
        %parallel_loop3A_238 = arith.subf %parallel_loop3A_237, %parallel_loop3A_226 : vector<16xf32>
        %parallel_loop3A_239 = arith.mulf %parallel_loop3A_134, %parallel_loop3A_238 : vector<16xf32>
        %parallel_loop3A_240 = arith.mulf %parallel_loop3A_134, %parallel_loop3A_226 : vector<16xf32>
        %parallel_loop3A_241 = arith.constant 1.000000e+00 : f32
        %parallel_loop3A_242 = vector.broadcast %parallel_loop3A_241 : f32 to vector<16xf32>
        %parallel_loop3A_243 = arith.subf %parallel_loop3A_242, %parallel_loop3A_228 : vector<16xf32>
        %parallel_loop3A_244 = arith.mulf %parallel_loop3A_239, %parallel_loop3A_243 : vector<16xf32>
        tpu.vector_store_idx %arg17[%parallel_loop3A_235], %parallel_loop3A_244 {add = true} : memref<32768xf32, #tpu.memory_space<vmem>>[vector<16xi32>], vector<16xf32>,
        %parallel_loop3A_245 = arith.constant 1 : i32
        %parallel_loop3A_246 = vector.broadcast %parallel_loop3A_245 : i32 to vector<16xi32>
        %parallel_loop3A_247 = arith.addi %parallel_loop3A_235, %parallel_loop3A_246 : vector<16xi32>
        %parallel_loop3A_248 = arith.constant 1.000000e+00 : f32
        %parallel_loop3A_249 = vector.broadcast %parallel_loop3A_248 : f32 to vector<16xf32>
        %parallel_loop3A_250 = arith.subf %parallel_loop3A_249, %parallel_loop3A_228 : vector<16xf32>
        %parallel_loop3A_251 = arith.mulf %parallel_loop3A_240, %parallel_loop3A_250 : vector<16xf32>
        tpu.vector_store_idx %arg17[%parallel_loop3A_247], %parallel_loop3A_251 {add = true} : memref<32768xf32, #tpu.memory_space<vmem>>[vector<16xi32>], vector<16xf32>,
        %parallel_loop3A_252 = arith.constant 128 : i32
        %parallel_loop3A_253 = vector.broadcast %parallel_loop3A_252 : i32 to vector<16xi32>
        %parallel_loop3A_254 = arith.addi %parallel_loop3A_235, %parallel_loop3A_253 : vector<16xi32>
        %parallel_loop3A_255 = arith.mulf %parallel_loop3A_239, %parallel_loop3A_228 : vector<16xf32>
        tpu.vector_store_idx %arg17[%parallel_loop3A_254], %parallel_loop3A_255 {add = true} : memref<32768xf32, #tpu.memory_space<vmem>>[vector<16xi32>], vector<16xf32>,
        %parallel_loop3A_256 = arith.constant 128 : i32
        %parallel_loop3A_257 = vector.broadcast %parallel_loop3A_256 : i32 to vector<16xi32>
        %parallel_loop3A_258 = arith.addi %parallel_loop3A_235, %parallel_loop3A_257 : vector<16xi32>
        %parallel_loop3A_259 = arith.constant 1 : i32
        %parallel_loop3A_260 = vector.broadcast %parallel_loop3A_259 : i32 to vector<16xi32>
        %parallel_loop3A_261 = arith.addi %parallel_loop3A_258, %parallel_loop3A_260 : vector<16xi32>
        %parallel_loop3A_262 = arith.mulf %parallel_loop3A_240, %parallel_loop3A_228 : vector<16xf32>
        tpu.vector_store_idx %arg17[%parallel_loop3A_261], %parallel_loop3A_262 {add = true} : memref<32768xf32, #tpu.memory_space<vmem>>[vector<16xi32>], vector<16xf32>,
      } {sc.loop_unroll_factor = 2 : i64, sc.parallel_access}
      %add3A_95 = arith.constant 2 : i32
      %add3A_96 = arith.addi %mul3A_64, %add3A_95 : i32
      %lt3A = arith.constant 10 : i32
      %lt3A_97 = arith.cmpi slt, %add3A_96, %lt3A : i32
      %convert_element_type3A = arith.extui %lt3A_97 : i1 to i32
      %cond3A = arith.constant 0 : i32
      %cond3A_98 = arith.cmpi ne, %convert_element_type3A, %cond3A : i32
      scf.if %cond3A_98 {
        %add3A_118 = arith.constant 2 : i32
        %add3A_119 = arith.addi %mul3A_64, %add3A_118 : i32
        %mul3A_120 = arith.constant 10000 : i32
        %mul3A_121 = arith.muli %add3A_119, %mul3A_120 : i32
        %dma_start3A_122 = tpu.memref_slice %arg3[%mul3A_121] : memref<100000xf32, #tpu.memory_space<hbm>> -> memref<10000xf32, #tpu.memory_space<hbm>>
        %dma_start3A_123 = tpu.memref_slice %arg3[%mul3A_121] : memref<100000xf32, #tpu.memory_space<hbm>> -> memref<10000xf32, #tpu.memory_space<hbm>>
        tpu.enqueue_dma source(%dma_start3A_123 : memref<10000xf32, #tpu.memory_space<hbm>>) target(%arg9 : memref<10000xf32, #tpu.memory_space<vmem>>) target_semaphore(%arg18 : memref<!tpu.dma_semaphore, #tpu.memory_space<semaphore_mem>>)
        %dma_start3A_124 = tpu.memref_slice %arg4[%mul3A_121] : memref<100000xf32, #tpu.memory_space<hbm>> -> memref<10000xf32, #tpu.memory_space<hbm>>
        %dma_start3A_125 = tpu.memref_slice %arg4[%mul3A_121] : memref<100000xf32, #tpu.memory_space<hbm>> -> memref<10000xf32, #tpu.memory_space<hbm>>
        tpu.enqueue_dma source(%dma_start3A_125 : memref<10000xf32, #tpu.memory_space<hbm>>) target(%arg10 : memref<10000xf32, #tpu.memory_space<vmem>>) target_semaphore(%arg18 : memref<!tpu.dma_semaphore, #tpu.memory_space<semaphore_mem>>)
        %dma_start3A_126 = tpu.memref_slice %arg5[%mul3A_121] : memref<100000xf32, #tpu.memory_space<hbm>> -> memref<10000xf32, #tpu.memory_space<hbm>>
        %dma_start3A_127 = tpu.memref_slice %arg5[%mul3A_121] : memref<100000xf32, #tpu.memory_space<hbm>> -> memref<10000xf32, #tpu.memory_space<hbm>>
        tpu.enqueue_dma source(%dma_start3A_127 : memref<10000xf32, #tpu.memory_space<hbm>>) target(%arg11 : memref<10000xf32, #tpu.memory_space<vmem>>) target_semaphore(%arg18 : memref<!tpu.dma_semaphore, #tpu.memory_space<semaphore_mem>>)
        %dma_start3A_128 = tpu.memref_slice %arg6[%mul3A_121] : memref<100000xf32, #tpu.memory_space<hbm>> -> memref<10000xf32, #tpu.memory_space<hbm>>
        %dma_start3A_129 = tpu.memref_slice %arg6[%mul3A_121] : memref<100000xf32, #tpu.memory_space<hbm>> -> memref<10000xf32, #tpu.memory_space<hbm>>
        tpu.enqueue_dma source(%dma_start3A_129 : memref<10000xf32, #tpu.memory_space<hbm>>) target(%arg12 : memref<10000xf32, #tpu.memory_space<vmem>>) target_semaphore(%arg18 : memref<!tpu.dma_semaphore, #tpu.memory_space<semaphore_mem>>)
      } else {
      }
      %dma_wait3A_99 = arith.constant 0 : i32
      %dma_wait3A_100 = tpu.memref_slice %arg3[%dma_wait3A_99] : memref<100000xf32, #tpu.memory_space<hbm>> -> memref<10000xf32, #tpu.memory_space<hbm>>
      %dma_wait3A_101 = arith.constant 0 : i32
      %dma_wait3A_102 = tpu.memref_slice %arg3[%dma_wait3A_101] : memref<100000xf32, #tpu.memory_space<hbm>> -> memref<10000xf32, #tpu.memory_space<hbm>>
      tpu.wait_dma2 semaphore(%arg19 : memref<!tpu.dma_semaphore, #tpu.memory_space<semaphore_mem>>) src(%dma_wait3A_102 : memref<10000xf32, #tpu.memory_space<hbm>>) dst(%arg13 : memref<10000xf32, #tpu.memory_space<vmem>>)
      %dma_wait3A_103 = arith.constant 0 : i32
      %dma_wait3A_104 = tpu.memref_slice %arg4[%dma_wait3A_103] : memref<100000xf32, #tpu.memory_space<hbm>> -> memref<10000xf32, #tpu.memory_space<hbm>>
      %dma_wait3A_105 = arith.constant 0 : i32
      %dma_wait3A_106 = tpu.memref_slice %arg4[%dma_wait3A_105] : memref<100000xf32, #tpu.memory_space<hbm>> -> memref<10000xf32, #tpu.memory_space<hbm>>
      tpu.wait_dma2 semaphore(%arg19 : memref<!tpu.dma_semaphore, #tpu.memory_space<semaphore_mem>>) src(%dma_wait3A_106 : memref<10000xf32, #tpu.memory_space<hbm>>) dst(%arg14 : memref<10000xf32, #tpu.memory_space<vmem>>)
      %dma_wait3A_107 = arith.constant 0 : i32
      %dma_wait3A_108 = tpu.memref_slice %arg5[%dma_wait3A_107] : memref<100000xf32, #tpu.memory_space<hbm>> -> memref<10000xf32, #tpu.memory_space<hbm>>
      %dma_wait3A_109 = arith.constant 0 : i32
      %dma_wait3A_110 = tpu.memref_slice %arg5[%dma_wait3A_109] : memref<100000xf32, #tpu.memory_space<hbm>> -> memref<10000xf32, #tpu.memory_space<hbm>>
      tpu.wait_dma2 semaphore(%arg19 : memref<!tpu.dma_semaphore, #tpu.memory_space<semaphore_mem>>) src(%dma_wait3A_110 : memref<10000xf32, #tpu.memory_space<hbm>>) dst(%arg15 : memref<10000xf32, #tpu.memory_space<vmem>>)
      %dma_wait3A_111 = arith.constant 0 : i32
      %dma_wait3A_112 = tpu.memref_slice %arg6[%dma_wait3A_111] : memref<100000xf32, #tpu.memory_space<hbm>> -> memref<10000xf32, #tpu.memory_space<hbm>>
      %dma_wait3A_113 = arith.constant 0 : i32
      %dma_wait3A_114 = tpu.memref_slice %arg6[%dma_wait3A_113] : memref<100000xf32, #tpu.memory_space<hbm>> -> memref<10000xf32, #tpu.memory_space<hbm>>
      tpu.wait_dma2 semaphore(%arg19 : memref<!tpu.dma_semaphore, #tpu.memory_space<semaphore_mem>>) src(%dma_wait3A_114 : memref<10000xf32, #tpu.memory_space<hbm>>) dst(%arg16 : memref<10000xf32, #tpu.memory_space<vmem>>)
      %parallel_loop3A_115 = arith.constant 0 : i32
      %parallel_loop3A_116 = arith.constant 625 : i32
      %parallel_loop3A_117 = arith.constant 1 : i32
      scf.for %parallel_loop3A_118 = %parallel_loop3A_115 to %parallel_loop3A_116 step %parallel_loop3A_117  : i32 {
        %parallel_loop3A_119 = arith.constant 16 : i32
        %parallel_loop3A_120 = arith.muli %parallel_loop3A_118, %parallel_loop3A_119 : i32
        %parallel_loop3A_121 = arith.index_cast %parallel_loop3A_120 : i32 to index
        %parallel_loop3A_122 = tpu.vector_load %arg13[%parallel_loop3A_121] {strides = array<i32>} : memref<10000xf32, #tpu.memory_space<vmem>>, vector<16xf32>,
        %parallel_loop3A_123 = arith.constant 16 : i32
        %parallel_loop3A_124 = arith.muli %parallel_loop3A_118, %parallel_loop3A_123 : i32
        %parallel_loop3A_125 = arith.index_cast %parallel_loop3A_124 : i32 to index
        %parallel_loop3A_126 = tpu.vector_load %arg14[%parallel_loop3A_125] {strides = array<i32>} : memref<10000xf32, #tpu.memory_space<vmem>>, vector<16xf32>,
        %parallel_loop3A_127 = arith.constant 16 : i32
        %parallel_loop3A_128 = arith.muli %parallel_loop3A_118, %parallel_loop3A_127 : i32
        %parallel_loop3A_129 = arith.index_cast %parallel_loop3A_128 : i32 to index
        %parallel_loop3A_130 = tpu.vector_load %arg15[%parallel_loop3A_129] {strides = array<i32>} : memref<10000xf32, #tpu.memory_space<vmem>>, vector<16xf32>,
        %parallel_loop3A_131 = arith.constant 16 : i32
        %parallel_loop3A_132 = arith.muli %parallel_loop3A_118, %parallel_loop3A_131 : i32
        %parallel_loop3A_133 = arith.index_cast %parallel_loop3A_132 : i32 to index
        %parallel_loop3A_134 = tpu.vector_load %arg16[%parallel_loop3A_133] {strides = array<i32>} : memref<10000xf32, #tpu.memory_space<vmem>>, vector<16xf32>,
        %parallel_loop3A_135 = arith.mulf %parallel_loop3A_122, %get3A_1 : vector<16xf32>
        %parallel_loop3A_136 = arith.mulf %parallel_loop3A_126, %get3A_3 : vector<16xf32>
        %parallel_loop3A_137 = arith.addf %parallel_loop3A_135, %parallel_loop3A_136 : vector<16xf32>
        %parallel_loop3A_138 = arith.mulf %parallel_loop3A_130, %get3A_5 : vector<16xf32>
        %parallel_loop3A_139 = arith.addf %parallel_loop3A_137, %parallel_loop3A_138 : vector<16xf32>
        %parallel_loop3A_140 = arith.addf %parallel_loop3A_139, %get3A_13 : vector<16xf32>
        %parallel_loop3A_141 = arith.mulf %parallel_loop3A_122, %get3A_7 : vector<16xf32>
        %parallel_loop3A_142 = arith.mulf %parallel_loop3A_126, %get3A_9 : vector<16xf32>
        %parallel_loop3A_143 = arith.addf %parallel_loop3A_141, %parallel_loop3A_142 : vector<16xf32>
        %parallel_loop3A_144 = arith.mulf %parallel_loop3A_130, %get3A_11 : vector<16xf32>
        %parallel_loop3A_145 = arith.addf %parallel_loop3A_143, %parallel_loop3A_144 : vector<16xf32>
        %parallel_loop3A_146 = arith.addf %parallel_loop3A_145, %get3A_15 : vector<16xf32>
        %parallel_loop3A_147 = arith.constant 0.000000e+00 : f32
        %parallel_loop3A_148 = vector.broadcast %parallel_loop3A_147 : f32 to vector<16xf32>
        %parallel_loop3A_149 = arith.maximumf %parallel_loop3A_140, %parallel_loop3A_148 : vector<16xf32>
        %parallel_loop3A_150 = arith.constant 1.260000e+02 : f32
        %parallel_loop3A_151 = vector.broadcast %parallel_loop3A_150 : f32 to vector<16xf32>
        %parallel_loop3A_152 = arith.minimumf %parallel_loop3A_149, %parallel_loop3A_151 : vector<16xf32>
        %parallel_loop3A_153 = arith.constant 0.000000e+00 : f32
        %parallel_loop3A_154 = vector.broadcast %parallel_loop3A_153 : f32 to vector<16xf32>
        %parallel_loop3A_155 = arith.maximumf %parallel_loop3A_146, %parallel_loop3A_154 : vector<16xf32>
        %parallel_loop3A_156 = arith.constant 1.260000e+02 : f32
        %parallel_loop3A_157 = vector.broadcast %parallel_loop3A_156 : f32 to vector<16xf32>
        %parallel_loop3A_158 = arith.minimumf %parallel_loop3A_155, %parallel_loop3A_157 : vector<16xf32>
        %parallel_loop3A_159 = arith.fptosi %parallel_loop3A_152 : vector<16xf32> to vector<16xi32>
        %parallel_loop3A_160 = arith.fptosi %parallel_loop3A_158 : vector<16xf32> to vector<16xi32>
        %parallel_loop3A_161 = arith.sitofp %parallel_loop3A_159 : vector<16xi32> to vector<16xf32>
        %parallel_loop3A_162 = arith.subf %parallel_loop3A_152, %parallel_loop3A_161 : vector<16xf32>
        %parallel_loop3A_163 = arith.sitofp %parallel_loop3A_160 : vector<16xi32> to vector<16xf32>
        %parallel_loop3A_164 = arith.subf %parallel_loop3A_158, %parallel_loop3A_163 : vector<16xf32>
        %parallel_loop3A_165 = arith.constant 128 : i32
        %parallel_loop3A_166 = vector.broadcast %parallel_loop3A_165 : i32 to vector<16xi32>
        %parallel_loop3A_167 = arith.muli %parallel_loop3A_160, %parallel_loop3A_166 : vector<16xi32>
        %parallel_loop3A_168 = arith.constant 0 : i32
        %parallel_loop3A_169 = vector.broadcast %parallel_loop3A_168 : i32 to vector<16xi32>
        %parallel_loop3A_170 = arith.addi %parallel_loop3A_169, %parallel_loop3A_167 : vector<16xi32>
        %parallel_loop3A_171 = arith.addi %parallel_loop3A_170, %parallel_loop3A_159 : vector<16xi32>
        %parallel_loop3A_172 = arith.constant 1.000000e+00 : f32
        %parallel_loop3A_173 = vector.broadcast %parallel_loop3A_172 : f32 to vector<16xf32>
        %parallel_loop3A_174 = arith.subf %parallel_loop3A_173, %parallel_loop3A_162 : vector<16xf32>
        %parallel_loop3A_175 = arith.mulf %parallel_loop3A_134, %parallel_loop3A_174 : vector<16xf32>
        %parallel_loop3A_176 = arith.mulf %parallel_loop3A_134, %parallel_loop3A_162 : vector<16xf32>
        %parallel_loop3A_177 = arith.constant 1.000000e+00 : f32
        %parallel_loop3A_178 = vector.broadcast %parallel_loop3A_177 : f32 to vector<16xf32>
        %parallel_loop3A_179 = arith.subf %parallel_loop3A_178, %parallel_loop3A_164 : vector<16xf32>
        %parallel_loop3A_180 = arith.mulf %parallel_loop3A_175, %parallel_loop3A_179 : vector<16xf32>
        tpu.vector_store_idx %arg17[%parallel_loop3A_171], %parallel_loop3A_180 {add = true} : memref<32768xf32, #tpu.memory_space<vmem>>[vector<16xi32>], vector<16xf32>,
        %parallel_loop3A_181 = arith.constant 1 : i32
        %parallel_loop3A_182 = vector.broadcast %parallel_loop3A_181 : i32 to vector<16xi32>
        %parallel_loop3A_183 = arith.addi %parallel_loop3A_171, %parallel_loop3A_182 : vector<16xi32>
        %parallel_loop3A_184 = arith.constant 1.000000e+00 : f32
        %parallel_loop3A_185 = vector.broadcast %parallel_loop3A_184 : f32 to vector<16xf32>
        %parallel_loop3A_186 = arith.subf %parallel_loop3A_185, %parallel_loop3A_164 : vector<16xf32>
        %parallel_loop3A_187 = arith.mulf %parallel_loop3A_176, %parallel_loop3A_186 : vector<16xf32>
        tpu.vector_store_idx %arg17[%parallel_loop3A_183], %parallel_loop3A_187 {add = true} : memref<32768xf32, #tpu.memory_space<vmem>>[vector<16xi32>], vector<16xf32>,
        %parallel_loop3A_188 = arith.constant 128 : i32
        %parallel_loop3A_189 = vector.broadcast %parallel_loop3A_188 : i32 to vector<16xi32>
        %parallel_loop3A_190 = arith.addi %parallel_loop3A_171, %parallel_loop3A_189 : vector<16xi32>
        %parallel_loop3A_191 = arith.mulf %parallel_loop3A_175, %parallel_loop3A_164 : vector<16xf32>
        tpu.vector_store_idx %arg17[%parallel_loop3A_190], %parallel_loop3A_191 {add = true} : memref<32768xf32, #tpu.memory_space<vmem>>[vector<16xi32>], vector<16xf32>,
        %parallel_loop3A_192 = arith.constant 128 : i32
        %parallel_loop3A_193 = vector.broadcast %parallel_loop3A_192 : i32 to vector<16xi32>
        %parallel_loop3A_194 = arith.addi %parallel_loop3A_171, %parallel_loop3A_193 : vector<16xi32>
        %parallel_loop3A_195 = arith.constant 1 : i32
        %parallel_loop3A_196 = vector.broadcast %parallel_loop3A_195 : i32 to vector<16xi32>
        %parallel_loop3A_197 = arith.addi %parallel_loop3A_194, %parallel_loop3A_196 : vector<16xi32>
        %parallel_loop3A_198 = arith.mulf %parallel_loop3A_176, %parallel_loop3A_164 : vector<16xf32>
        tpu.vector_store_idx %arg17[%parallel_loop3A_197], %parallel_loop3A_198 {add = true} : memref<32768xf32, #tpu.memory_space<vmem>>[vector<16xi32>], vector<16xf32>,
        %parallel_loop3A_199 = arith.mulf %parallel_loop3A_122, %get3A_17 : vector<16xf32>
        %parallel_loop3A_200 = arith.mulf %parallel_loop3A_126, %get3A_19 : vector<16xf32>
        %parallel_loop3A_201 = arith.addf %parallel_loop3A_199, %parallel_loop3A_200 : vector<16xf32>
        %parallel_loop3A_202 = arith.mulf %parallel_loop3A_130, %get3A_21 : vector<16xf32>
        %parallel_loop3A_203 = arith.addf %parallel_loop3A_201, %parallel_loop3A_202 : vector<16xf32>
        %parallel_loop3A_204 = arith.addf %parallel_loop3A_203, %get3A_29 : vector<16xf32>
        %parallel_loop3A_205 = arith.mulf %parallel_loop3A_122, %get3A_23 : vector<16xf32>
        %parallel_loop3A_206 = arith.mulf %parallel_loop3A_126, %get3A_25 : vector<16xf32>
        %parallel_loop3A_207 = arith.addf %parallel_loop3A_205, %parallel_loop3A_206 : vector<16xf32>
        %parallel_loop3A_208 = arith.mulf %parallel_loop3A_130, %get3A_27 : vector<16xf32>
        %parallel_loop3A_209 = arith.addf %parallel_loop3A_207, %parallel_loop3A_208 : vector<16xf32>
        %parallel_loop3A_210 = arith.addf %parallel_loop3A_209, %get3A_31 : vector<16xf32>
        %parallel_loop3A_211 = arith.constant 0.000000e+00 : f32
        %parallel_loop3A_212 = vector.broadcast %parallel_loop3A_211 : f32 to vector<16xf32>
        %parallel_loop3A_213 = arith.maximumf %parallel_loop3A_204, %parallel_loop3A_212 : vector<16xf32>
        %parallel_loop3A_214 = arith.constant 1.260000e+02 : f32
        %parallel_loop3A_215 = vector.broadcast %parallel_loop3A_214 : f32 to vector<16xf32>
        %parallel_loop3A_216 = arith.minimumf %parallel_loop3A_213, %parallel_loop3A_215 : vector<16xf32>
        %parallel_loop3A_217 = arith.constant 0.000000e+00 : f32
        %parallel_loop3A_218 = vector.broadcast %parallel_loop3A_217 : f32 to vector<16xf32>
        %parallel_loop3A_219 = arith.maximumf %parallel_loop3A_210, %parallel_loop3A_218 : vector<16xf32>
        %parallel_loop3A_220 = arith.constant 1.260000e+02 : f32
        %parallel_loop3A_221 = vector.broadcast %parallel_loop3A_220 : f32 to vector<16xf32>
        %parallel_loop3A_222 = arith.minimumf %parallel_loop3A_219, %parallel_loop3A_221 : vector<16xf32>
        %parallel_loop3A_223 = arith.fptosi %parallel_loop3A_216 : vector<16xf32> to vector<16xi32>
        %parallel_loop3A_224 = arith.fptosi %parallel_loop3A_222 : vector<16xf32> to vector<16xi32>
        %parallel_loop3A_225 = arith.sitofp %parallel_loop3A_223 : vector<16xi32> to vector<16xf32>
        %parallel_loop3A_226 = arith.subf %parallel_loop3A_216, %parallel_loop3A_225 : vector<16xf32>
        %parallel_loop3A_227 = arith.sitofp %parallel_loop3A_224 : vector<16xi32> to vector<16xf32>
        %parallel_loop3A_228 = arith.subf %parallel_loop3A_222, %parallel_loop3A_227 : vector<16xf32>
        %parallel_loop3A_229 = arith.constant 128 : i32
        %parallel_loop3A_230 = vector.broadcast %parallel_loop3A_229 : i32 to vector<16xi32>
        %parallel_loop3A_231 = arith.muli %parallel_loop3A_224, %parallel_loop3A_230 : vector<16xi32>
        %parallel_loop3A_232 = arith.constant 16384 : i32
        %parallel_loop3A_233 = vector.broadcast %parallel_loop3A_232 : i32 to vector<16xi32>
        %parallel_loop3A_234 = arith.addi %parallel_loop3A_233, %parallel_loop3A_231 : vector<16xi32>
        %parallel_loop3A_235 = arith.addi %parallel_loop3A_234, %parallel_loop3A_223 : vector<16xi32>
        %parallel_loop3A_236 = arith.constant 1.000000e+00 : f32
        %parallel_loop3A_237 = vector.broadcast %parallel_loop3A_236 : f32 to vector<16xf32>
        %parallel_loop3A_238 = arith.subf %parallel_loop3A_237, %parallel_loop3A_226 : vector<16xf32>
        %parallel_loop3A_239 = arith.mulf %parallel_loop3A_134, %parallel_loop3A_238 : vector<16xf32>
        %parallel_loop3A_240 = arith.mulf %parallel_loop3A_134, %parallel_loop3A_226 : vector<16xf32>
        %parallel_loop3A_241 = arith.constant 1.000000e+00 : f32
        %parallel_loop3A_242 = vector.broadcast %parallel_loop3A_241 : f32 to vector<16xf32>
        %parallel_loop3A_243 = arith.subf %parallel_loop3A_242, %parallel_loop3A_228 : vector<16xf32>
        %parallel_loop3A_244 = arith.mulf %parallel_loop3A_239, %parallel_loop3A_243 : vector<16xf32>
        tpu.vector_store_idx %arg17[%parallel_loop3A_235], %parallel_loop3A_244 {add = true} : memref<32768xf32, #tpu.memory_space<vmem>>[vector<16xi32>], vector<16xf32>,
        %parallel_loop3A_245 = arith.constant 1 : i32
        %parallel_loop3A_246 = vector.broadcast %parallel_loop3A_245 : i32 to vector<16xi32>
        %parallel_loop3A_247 = arith.addi %parallel_loop3A_235, %parallel_loop3A_246 : vector<16xi32>
        %parallel_loop3A_248 = arith.constant 1.000000e+00 : f32
        %parallel_loop3A_249 = vector.broadcast %parallel_loop3A_248 : f32 to vector<16xf32>
        %parallel_loop3A_250 = arith.subf %parallel_loop3A_249, %parallel_loop3A_228 : vector<16xf32>
        %parallel_loop3A_251 = arith.mulf %parallel_loop3A_240, %parallel_loop3A_250 : vector<16xf32>
        tpu.vector_store_idx %arg17[%parallel_loop3A_247], %parallel_loop3A_251 {add = true} : memref<32768xf32, #tpu.memory_space<vmem>>[vector<16xi32>], vector<16xf32>,
        %parallel_loop3A_252 = arith.constant 128 : i32
        %parallel_loop3A_253 = vector.broadcast %parallel_loop3A_252 : i32 to vector<16xi32>
        %parallel_loop3A_254 = arith.addi %parallel_loop3A_235, %parallel_loop3A_253 : vector<16xi32>
        %parallel_loop3A_255 = arith.mulf %parallel_loop3A_239, %parallel_loop3A_228 : vector<16xf32>
        tpu.vector_store_idx %arg17[%parallel_loop3A_254], %parallel_loop3A_255 {add = true} : memref<32768xf32, #tpu.memory_space<vmem>>[vector<16xi32>], vector<16xf32>,
        %parallel_loop3A_256 = arith.constant 128 : i32
        %parallel_loop3A_257 = vector.broadcast %parallel_loop3A_256 : i32 to vector<16xi32>
        %parallel_loop3A_258 = arith.addi %parallel_loop3A_235, %parallel_loop3A_257 : vector<16xi32>
        %parallel_loop3A_259 = arith.constant 1 : i32
        %parallel_loop3A_260 = vector.broadcast %parallel_loop3A_259 : i32 to vector<16xi32>
        %parallel_loop3A_261 = arith.addi %parallel_loop3A_258, %parallel_loop3A_260 : vector<16xi32>
        %parallel_loop3A_262 = arith.mulf %parallel_loop3A_240, %parallel_loop3A_228 : vector<16xf32>
        tpu.vector_store_idx %arg17[%parallel_loop3A_261], %parallel_loop3A_262 {add = true} : memref<32768xf32, #tpu.memory_space<vmem>>[vector<16xi32>], vector<16xf32>,
      } {sc.loop_unroll_factor = 2 : i64, sc.parallel_access}
    }
    %scan3A_53 = arith.constant 5 : i32
    %mul3A_54 = arith.constant 2 : i32
    %mul3A_55 = arith.muli %add3A, %mul3A_54 : i32
    %add3A_56 = arith.constant 0 : i32
    %add3A_57 = arith.addi %mul3A_55, %add3A_56 : i32
    "tpu.region"() ({
      %run_scoped3A = tpu.sem_alloc : memref<!tpu.dma_semaphore, #tpu.memory_space<semaphore_mem>>
      %dma_start3A_62 = arith.constant 0 : i32
      %dma_start3A_63 = tpu.memref_slice %arg17[%dma_start3A_62] : memref<32768xf32, #tpu.memory_space<vmem>> -> memref<16384xf32, #tpu.memory_space<vmem>>
      %dma_start3A_64 = arith.constant 0 : i32
      %dma_start3A_65 = tpu.memref_slice %arg7[%add3A_57, %dma_start3A_64] : memref<64x16384xf32, #tpu.memory_space<hbm>> -> memref<1x16384xf32, #tpu.memory_space<hbm>>
      %dma_start3A_66 = tpu.memref_squeeze %dma_start3A_65 : memref<1x16384xf32, #tpu.memory_space<hbm>> -> memref<16384xf32, #tpu.memory_space<hbm>>
      %dma_start3A_67 = arith.constant 0 : i32
      %dma_start3A_68 = tpu.memref_slice %arg7[%add3A_57, %dma_start3A_67] : memref<64x16384xf32, #tpu.memory_space<hbm>> -> memref<1x16384xf32, #tpu.memory_space<hbm>>
      %dma_start3A_69 = tpu.memref_squeeze %dma_start3A_68 : memref<1x16384xf32, #tpu.memory_space<hbm>> -> memref<16384xf32, #tpu.memory_space<hbm>>
      %dma_start3A_70 = arith.constant 0 : i32
      %dma_start3A_71 = tpu.memref_slice %arg17[%dma_start3A_70] : memref<32768xf32, #tpu.memory_space<vmem>> -> memref<16384xf32, #tpu.memory_space<vmem>>
      tpu.enqueue_dma source(%dma_start3A_71 : memref<16384xf32, #tpu.memory_space<vmem>>) target(%dma_start3A_69 : memref<16384xf32, #tpu.memory_space<hbm>>) target_semaphore(%run_scoped3A : memref<!tpu.dma_semaphore, #tpu.memory_space<semaphore_mem>>)
      %dma_wait3A = arith.constant 0 : i32
      %dma_wait3A_72 = tpu.memref_slice %arg17[%dma_wait3A] : memref<32768xf32, #tpu.memory_space<vmem>> -> memref<16384xf32, #tpu.memory_space<vmem>>
      %dma_wait3A_73 = arith.constant 0 : i32
      %dma_wait3A_74 = tpu.memref_slice %arg7[%add3A_57, %dma_wait3A_73] : memref<64x16384xf32, #tpu.memory_space<hbm>> -> memref<1x16384xf32, #tpu.memory_space<hbm>>
      %dma_wait3A_75 = tpu.memref_squeeze %dma_wait3A_74 : memref<1x16384xf32, #tpu.memory_space<hbm>> -> memref<16384xf32, #tpu.memory_space<hbm>>
      %dma_wait3A_76 = arith.constant 0 : i32
      %dma_wait3A_77 = tpu.memref_slice %arg7[%add3A_57, %dma_wait3A_76] : memref<64x16384xf32, #tpu.memory_space<hbm>> -> memref<1x16384xf32, #tpu.memory_space<hbm>>
      %dma_wait3A_78 = tpu.memref_squeeze %dma_wait3A_77 : memref<1x16384xf32, #tpu.memory_space<hbm>> -> memref<16384xf32, #tpu.memory_space<hbm>>
      %dma_wait3A_79 = arith.constant 0 : i32
      %dma_wait3A_80 = tpu.memref_slice %arg17[%dma_wait3A_79] : memref<32768xf32, #tpu.memory_space<vmem>> -> memref<16384xf32, #tpu.memory_space<vmem>>
      tpu.wait_dma2 semaphore(%run_scoped3A : memref<!tpu.dma_semaphore, #tpu.memory_space<semaphore_mem>>) src(%dma_wait3A_80 : memref<16384xf32, #tpu.memory_space<vmem>>) dst(%dma_wait3A_78 : memref<16384xf32, #tpu.memory_space<hbm>>)
      tpu.yield
    }) : () -> ()
    %mul3A_58 = arith.constant 2 : i32
    %mul3A_59 = arith.muli %add3A, %mul3A_58 : i32
    %add3A_60 = arith.constant 1 : i32
    %add3A_61 = arith.addi %mul3A_59, %add3A_60 : i32
    "tpu.region"() ({
      %run_scoped3A = tpu.sem_alloc : memref<!tpu.dma_semaphore, #tpu.memory_space<semaphore_mem>>
      %dma_start3A_62 = arith.constant 16384 : i32
      %dma_start3A_63 = tpu.memref_slice %arg17[%dma_start3A_62] : memref<32768xf32, #tpu.memory_space<vmem>> -> memref<16384xf32, #tpu.memory_space<vmem>>
      %dma_start3A_64 = arith.constant 0 : i32
      %dma_start3A_65 = tpu.memref_slice %arg7[%add3A_61, %dma_start3A_64] : memref<64x16384xf32, #tpu.memory_space<hbm>> -> memref<1x16384xf32, #tpu.memory_space<hbm>>
      %dma_start3A_66 = tpu.memref_squeeze %dma_start3A_65 : memref<1x16384xf32, #tpu.memory_space<hbm>> -> memref<16384xf32, #tpu.memory_space<hbm>>
      %dma_start3A_67 = arith.constant 0 : i32
      %dma_start3A_68 = tpu.memref_slice %arg7[%add3A_61, %dma_start3A_67] : memref<64x16384xf32, #tpu.memory_space<hbm>> -> memref<1x16384xf32, #tpu.memory_space<hbm>>
      %dma_start3A_69 = tpu.memref_squeeze %dma_start3A_68 : memref<1x16384xf32, #tpu.memory_space<hbm>> -> memref<16384xf32, #tpu.memory_space<hbm>>
      %dma_start3A_70 = arith.constant 16384 : i32
      %dma_start3A_71 = tpu.memref_slice %arg17[%dma_start3A_70] : memref<32768xf32, #tpu.memory_space<vmem>> -> memref<16384xf32, #tpu.memory_space<vmem>>
      tpu.enqueue_dma source(%dma_start3A_71 : memref<16384xf32, #tpu.memory_space<vmem>>) target(%dma_start3A_69 : memref<16384xf32, #tpu.memory_space<hbm>>) target_semaphore(%run_scoped3A : memref<!tpu.dma_semaphore, #tpu.memory_space<semaphore_mem>>)
      %dma_wait3A = arith.constant 16384 : i32
      %dma_wait3A_72 = tpu.memref_slice %arg17[%dma_wait3A] : memref<32768xf32, #tpu.memory_space<vmem>> -> memref<16384xf32, #tpu.memory_space<vmem>>
      %dma_wait3A_73 = arith.constant 0 : i32
      %dma_wait3A_74 = tpu.memref_slice %arg7[%add3A_61, %dma_wait3A_73] : memref<64x16384xf32, #tpu.memory_space<hbm>> -> memref<1x16384xf32, #tpu.memory_space<hbm>>
      %dma_wait3A_75 = tpu.memref_squeeze %dma_wait3A_74 : memref<1x16384xf32, #tpu.memory_space<hbm>> -> memref<16384xf32, #tpu.memory_space<hbm>>
      %dma_wait3A_76 = arith.constant 0 : i32
      %dma_wait3A_77 = tpu.memref_slice %arg7[%add3A_61, %dma_wait3A_76] : memref<64x16384xf32, #tpu.memory_space<hbm>> -> memref<1x16384xf32, #tpu.memory_space<hbm>>
      %dma_wait3A_78 = tpu.memref_squeeze %dma_wait3A_77 : memref<1x16384xf32, #tpu.memory_space<hbm>> -> memref<16384xf32, #tpu.memory_space<hbm>>
      %dma_wait3A_79 = arith.constant 16384 : i32
      %dma_wait3A_80 = tpu.memref_slice %arg17[%dma_wait3A_79] : memref<32768xf32, #tpu.memory_space<vmem>> -> memref<16384xf32, #tpu.memory_space<vmem>>
      tpu.wait_dma2 semaphore(%run_scoped3A : memref<!tpu.dma_semaphore, #tpu.memory_space<semaphore_mem>>) src(%dma_wait3A_80 : memref<16384xf32, #tpu.memory_space<vmem>>) dst(%dma_wait3A_78 : memref<16384xf32, #tpu.memory_space<hbm>>)
      tpu.yield
    }) : () -> ()
    return
  }
}

module attributes {stable_mosaic.version = 14 : i64} {
  func.func @_filter_body(%arg0: i32, %arg1: memref<1x128x128xf32, #tpu.memory_space<vmem>>, %arg2: memref<1x128x128xf32, #tpu.memory_space<vmem>>, %arg3: memref<128x128xf32, #tpu.memory_space<vmem>>, %arg4: memref<128x128xf32, #tpu.memory_space<vmem>>, %arg5: memref<1x128x128xf32, #tpu.memory_space<vmem>>) attributes {dimension_semantics = [#tpu.dimension_semantics<arbitrary>], iteration_bounds = array<i64: 64>, scalar_prefetch = 0 : i64, scratch_operands = 0 : i64, tpu.core_type = #tpu.core_type<tc>, window_params = [{transform_indices = @transform_0, window_bounds = array<i64: 1, 128, 128>}, {transform_indices = @transform_1, window_bounds = array<i64: 1, 128, 128>}, {pipeline_mode = #tpu.pipeline_mode<synchronous>, transform_indices = @transform_2, window_bounds = array<i64: 128, 128>}, {pipeline_mode = #tpu.pipeline_mode<synchronous>, transform_indices = @transform_3, window_bounds = array<i64: 128, 128>}, {transform_indices = @transform_4, window_bounds = array<i64: 1, 128, 128>}]} {
    %get3A = arith.constant 0 : index
    %get3A_0 = arith.constant 0 : index
    %get3A_1 = arith.constant 0 : index
    %get3A_2 = vector.load %arg1[%get3A, %get3A_0, %get3A_1] : memref<1x128x128xf32, #tpu.memory_space<vmem>>, vector<1x128x128xf32>
    %get3A_3 = vector.shape_cast %get3A_2 : vector<1x128x128xf32> to vector<128x128xf32>
    %get3A_4 = arith.constant 0 : index
    %get3A_5 = arith.constant 0 : index
    %get3A_6 = arith.constant 0 : index
    %get3A_7 = vector.load %arg2[%get3A_4, %get3A_5, %get3A_6] : memref<1x128x128xf32, #tpu.memory_space<vmem>>, vector<1x128x128xf32>
    %get3A_8 = vector.shape_cast %get3A_7 : vector<1x128x128xf32> to vector<128x128xf32>
    %get3A_9 = arith.constant 0 : index
    %get3A_10 = arith.constant 0 : index
    %get3A_11 = vector.load %arg3[%get3A_9, %get3A_10] : memref<128x128xf32, #tpu.memory_space<vmem>>, vector<128x128xf32>
    %get3A_12 = arith.constant 0 : index
    %get3A_13 = arith.constant 0 : index
    %get3A_14 = vector.load %arg4[%get3A_12, %get3A_13] : memref<128x128xf32, #tpu.memory_space<vmem>>, vector<128x128xf32>
    %dot_general3A = arith.constant dense<0.000000e+00> : vector<128x128xf32>
    %dot_general3A_15 = tpu.matmul %get3A_11, %get3A_3, %dot_general3A {dimension_numbers = #tpu.dot_dimension_numbers<[1], [0], [0], [1], [0, 0, 1, 1], [], []>, precision = #tpu.contract_precision<fp32>, transpose_lhs_hint = false} : vector<128x128xf32>, vector<128x128xf32>, vector<128x128xf32> -> vector<128x128xf32>
    %dot_general3A_16 = arith.constant dense<0.000000e+00> : vector<128x128xf32>
    %dot_general3A_17 = tpu.matmul %get3A_14, %get3A_3, %dot_general3A_16 {dimension_numbers = #tpu.dot_dimension_numbers<[1], [0], [0], [1], [0, 0, 1, 1], [], []>, precision = #tpu.contract_precision<fp32>, transpose_lhs_hint = false} : vector<128x128xf32>, vector<128x128xf32>, vector<128x128xf32> -> vector<128x128xf32>
    %neg3A = arith.constant 0.000000e+00 : f32
    %neg3A_18 = vector.broadcast %neg3A : f32 to vector<128x128xf32>
    %neg3A_19 = arith.subf %neg3A_18, %dot_general3A_17 : vector<128x128xf32>
    %dot_general3A_20 = arith.constant dense<0.000000e+00> : vector<128x128xf32>
    %dot_general3A_21 = tpu.matmul %dot_general3A_15, %get3A_11, %dot_general3A_20 {dimension_numbers = #tpu.dot_dimension_numbers<[1], [0], [0], [1], [0, 0, 1, 1], [], []>, precision = #tpu.contract_precision<fp32>, transpose_lhs_hint = false} : vector<128x128xf32>, vector<128x128xf32>, vector<128x128xf32> -> vector<128x128xf32>
    %dot_general3A_22 = arith.constant dense<0.000000e+00> : vector<128x128xf32>
    %dot_general3A_23 = tpu.matmul %neg3A_19, %get3A_14, %dot_general3A_22 {dimension_numbers = #tpu.dot_dimension_numbers<[1], [0], [0], [1], [0, 0, 1, 1], [], []>, precision = #tpu.contract_precision<fp32>, transpose_lhs_hint = false} : vector<128x128xf32>, vector<128x128xf32>, vector<128x128xf32> -> vector<128x128xf32>
    %add3A = arith.addf %dot_general3A_21, %dot_general3A_23 : vector<128x128xf32>
    %dot_general3A_24 = arith.constant dense<0.000000e+00> : vector<128x128xf32>
    %dot_general3A_25 = tpu.matmul %neg3A_19, %get3A_11, %dot_general3A_24 {dimension_numbers = #tpu.dot_dimension_numbers<[1], [0], [0], [1], [0, 0, 1, 1], [], []>, precision = #tpu.contract_precision<fp32>, transpose_lhs_hint = false} : vector<128x128xf32>, vector<128x128xf32>, vector<128x128xf32> -> vector<128x128xf32>
    %dot_general3A_26 = arith.constant dense<0.000000e+00> : vector<128x128xf32>
    %dot_general3A_27 = tpu.matmul %dot_general3A_15, %get3A_14, %dot_general3A_26 {dimension_numbers = #tpu.dot_dimension_numbers<[1], [0], [0], [1], [0, 0, 1, 1], [], []>, precision = #tpu.contract_precision<fp32>, transpose_lhs_hint = false} : vector<128x128xf32>, vector<128x128xf32>, vector<128x128xf32> -> vector<128x128xf32>
    %sub3A = arith.subf %dot_general3A_25, %dot_general3A_27 : vector<128x128xf32>
    %mul3A = arith.mulf %get3A_8, %add3A : vector<128x128xf32>
    %mul3A_28 = arith.mulf %get3A_8, %sub3A : vector<128x128xf32>
    %dot_general3A_29 = arith.constant dense<0.000000e+00> : vector<128x128xf32>
    %dot_general3A_30 = tpu.matmul %get3A_11, %mul3A, %dot_general3A_29 {dimension_numbers = #tpu.dot_dimension_numbers<[1], [0], [0], [1], [0, 0, 1, 1], [], []>, precision = #tpu.contract_precision<fp32>, transpose_lhs_hint = false} : vector<128x128xf32>, vector<128x128xf32>, vector<128x128xf32> -> vector<128x128xf32>
    %dot_general3A_31 = arith.constant dense<0.000000e+00> : vector<128x128xf32>
    %dot_general3A_32 = tpu.matmul %get3A_14, %mul3A_28, %dot_general3A_31 {dimension_numbers = #tpu.dot_dimension_numbers<[1], [0], [0], [1], [0, 0, 1, 1], [], []>, precision = #tpu.contract_precision<fp32>, transpose_lhs_hint = false} : vector<128x128xf32>, vector<128x128xf32>, vector<128x128xf32> -> vector<128x128xf32>
    %sub3A_33 = arith.subf %dot_general3A_30, %dot_general3A_32 : vector<128x128xf32>
    %dot_general3A_34 = arith.constant dense<0.000000e+00> : vector<128x128xf32>
    %dot_general3A_35 = tpu.matmul %get3A_11, %mul3A_28, %dot_general3A_34 {dimension_numbers = #tpu.dot_dimension_numbers<[1], [0], [0], [1], [0, 0, 1, 1], [], []>, precision = #tpu.contract_precision<fp32>, transpose_lhs_hint = false} : vector<128x128xf32>, vector<128x128xf32>, vector<128x128xf32> -> vector<128x128xf32>
    %dot_general3A_36 = arith.constant dense<0.000000e+00> : vector<128x128xf32>
    %dot_general3A_37 = tpu.matmul %get3A_14, %mul3A, %dot_general3A_36 {dimension_numbers = #tpu.dot_dimension_numbers<[1], [0], [0], [1], [0, 0, 1, 1], [], []>, precision = #tpu.contract_precision<fp32>, transpose_lhs_hint = false} : vector<128x128xf32>, vector<128x128xf32>, vector<128x128xf32> -> vector<128x128xf32>
    %add3A_38 = arith.addf %dot_general3A_35, %dot_general3A_37 : vector<128x128xf32>
    %dot_general3A_39 = arith.constant dense<0.000000e+00> : vector<128x128xf32>
    %dot_general3A_40 = tpu.matmul %sub3A_33, %get3A_11, %dot_general3A_39 {dimension_numbers = #tpu.dot_dimension_numbers<[1], [0], [0], [1], [0, 0, 1, 1], [], []>, precision = #tpu.contract_precision<fp32>, transpose_lhs_hint = false} : vector<128x128xf32>, vector<128x128xf32>, vector<128x128xf32> -> vector<128x128xf32>
    %dot_general3A_41 = arith.constant dense<0.000000e+00> : vector<128x128xf32>
    %dot_general3A_42 = tpu.matmul %add3A_38, %get3A_14, %dot_general3A_41 {dimension_numbers = #tpu.dot_dimension_numbers<[1], [0], [0], [1], [0, 0, 1, 1], [], []>, precision = #tpu.contract_precision<fp32>, transpose_lhs_hint = false} : vector<128x128xf32>, vector<128x128xf32>, vector<128x128xf32> -> vector<128x128xf32>
    %sub3A_43 = arith.subf %dot_general3A_40, %dot_general3A_42 : vector<128x128xf32>
    %swap3A = arith.constant 0 : index
    %swap3A_44 = arith.constant 0 : index
    %swap3A_45 = arith.constant 0 : index
    %swap3A_46 = vector.load %arg5[%swap3A, %swap3A_44, %swap3A_45] : memref<1x128x128xf32, #tpu.memory_space<vmem>>, vector<1x128x128xf32>
    %swap3A_47 = vector.shape_cast %swap3A_46 : vector<1x128x128xf32> to vector<128x128xf32>
    %swap3A_48 = vector.shape_cast %sub3A_43 : vector<128x128xf32> to vector<1x128x128xf32>
    tpu.vector_store %arg5[%swap3A, %swap3A_44, %swap3A_45], %swap3A_48 {strides = array<i32>} : memref<1x128x128xf32, #tpu.memory_space<vmem>>, vector<1x128x128xf32>,
    return
  }
  func.func @transform_0(%arg0: i32) -> (i32, i32, i32) {
    %c0_i32 = arith.constant 0 : i32
    %c0_i32_0 = arith.constant 0 : i32
    %c0_i32_1 = arith.constant 0 : i32
    return %arg0, %c0_i32, %c0_i32_0 : i32, i32, i32
  }
  func.func @transform_1(%arg0: i32) -> (i32, i32, i32) {
    %c0_i32 = arith.constant 0 : i32
    %c0_i32_0 = arith.constant 0 : i32
    %c0_i32_1 = arith.constant 0 : i32
    return %arg0, %c0_i32, %c0_i32_0 : i32, i32, i32
  }
  func.func @transform_2(%arg0: i32) -> (i32, i32) {
    %c0_i32 = arith.constant 0 : i32
    %c0_i32_0 = arith.constant 0 : i32
    %c0_i32_1 = arith.constant 0 : i32
    return %c0_i32, %c0_i32_0 : i32, i32
  }
  func.func @transform_3(%arg0: i32) -> (i32, i32) {
    %c0_i32 = arith.constant 0 : i32
    %c0_i32_0 = arith.constant 0 : i32
    %c0_i32_1 = arith.constant 0 : i32
    return %c0_i32, %c0_i32_0 : i32, i32
  }
  func.func @transform_4(%arg0: i32) -> (i32, i32, i32) {
    %c0_i32 = arith.constant 0 : i32
    %c0_i32_0 = arith.constant 0 : i32
    %c0_i32_1 = arith.constant 0 : i32
    return %arg0, %c0_i32, %c0_i32_0 : i32, i32, i32
  }
}

</mosaic_0001>

<sc_bundles>
// kernel: kernel.4.cloned.1.call-start
scs
__scs_entry_jumppad:
0x0: {  	(pc) =	sbr.rel $0x88, $3  }
0x1: {  	(tag) =	ssettag $0x0;
	lr =	simm.s32 $0x1  }
0x2: {  	[smem:$0x3F9C] =	sst lr;
	_ =	strace $0xD0000000  }
0x3: {  	_ = 	snop  }
0x4: {  	_ = 	snop  }
0x5: {  	_ = 	snop  }
0x6: {  	_ = 	snop  }
0x7: {  	_ = 	snop  }
__scs_overlays_trampoline_lowered:
0x8: {  	[smem:$0x3FAB] =	sst s0  }
0x9: {  	[smem:$0x3FAC] =	sst s1  }
0xa: {  	[smem:$0x3FAD] =	sst s2  }
0xb: {  	[smem:$0x3FAE] =	sst s3  }
0xc: {  	[smem:$0x3FAF] =	sst s4  }
0xd: {  	[smem:$0x3FB0] =	sst s5  }
0xe: {  	[smem:$0x3FB1] =	sst s6  }
0xf: {  	[smem:$0x3FB2] =	sst s7  }
0x10: {  	[smem:$0x3FB3] =	sst s8  }
0x11: {  	[smem:$0x3FB4] =	sst s9;
	s0 =	simm.s32 @!p0 $0x0  }
0x12: {  	s1 =	sld [smem:$0x3F9A];
	s0 =	simm.s32 @p0 $0x1  }
0x13: {  	[smem:$0x3FB5] =	sst s0;
	s0 =	simm.s32 @!p1 $0x0  }
0x14: {  	s2 =	sld [smem:$0x3F99];
	s0 =	simm.s32 @p1 $0x1  }
0x15: {  	[smem:$0x3FB6] =	sst s0;
	s0 =	simm.s32 @!p2 $0x0  }
0x16: {  	s3 =	sld [smem:$0x3FDB];
	s0 =	simm.s32 @p2 $0x1  }
0x17: {  	s4 =	simm.s32 $0x1BF5;
	[smem:$0x3FB8] =	sst s0  }
0x18: {  	s0 =	sld [smem:$0x3F9B];
	_ =	swait.ge [sflag:s4], $0x0  }
0x19: {  	s7 =	sld [smem:$0x3F9C]  }
0x1a: {  	s8 =	sadd.s32 $0xFFFFE003, lr  }
0x1b: {  	s9 =	sadd.s32 $0xFFFFFEF7, lr;
	s5 =	simm.s32 $0xFFFFFFFF;
	p2 =	slt.u32 s8, $0xFFFFF086  }
0x1c: {  	p1 =	slt.u32 s9, $0xF7A;
	s5 =	simm.s32 @!p2 $0x0  }
0x1d: {  	s5 =	simm.s32 @p1 $0x1;
	p0 =	seq.s32 s7, s2  }
0x1e: {  	s7 =	smul.u32 @!p0 $0xF7A, s2;
	p2 =	seq.s32 @!p0 s5, $0x0  }
0x1f: {  	s9 =	smul.u32 $0xF7A, s1;
	s8 =	simm.s32 @!p0 $0x1BF5;
	p2 =	por !p2, p0  }
0x20: {  	[sflag:s8] =	ssyncset.s32 @!p0 $0xFFFFF086;
	s6 =	sadd.s32 @!p0 s3, s7;
	s7 =	simm.s32 @!p0 $0x108  }
0x21: {  	s3 =	sadd.s32 s3, s9;
	s6 =	sadd.s32 @!p0 $0x88, s6;
	s7 =	simm.s32 @p2 $0x1082  }
0x22: {  	[simem:s7], [sflag:s8] =	dma.local @!p0 [hbm:s6], $0xF7A  }
0x23: {  	s9 =	sor.u32 $0xD0000000, s2;
	s6 =	simm.s32 $0x108;
	_ =	swait.ge @!p0 [sflag:s8], $0x0  }
0x24: {  	s3 =	sadd.s32 $0x88, s3;
	s6 =	simm.s32 @!p1 $0x1082;
	[sflag:s4] =	ssyncset.s32 $0xFFFFF086  }
0x25: {  	[simem:s6], [sflag:s4] =	dma.local [hbm:s3], $0xF7A  }
0x26: {  	[smem:$0x3F9C] =	sst s1;
	(tag) =	ssettag s2;
	_ =	strace s9  }
0x27: {  	s1 =	sld [smem:$0x3FAC]  }
0x28: {  	s2 =	sld [smem:$0x3FAD]  }
0x29: {  	s4 =	sld [smem:$0x3FAF]  }
0x2a: {  	p0 =	seq.s32 s5, $0x0;
	s5 =	sld [smem:$0x3FB0]  }
0x2b: {  	s6 =	sld [smem:$0x3FB1]  }
0x2c: {  	s7 =	sld [smem:$0x3FB2]  }
0x2d: {  	s3 =	simm.s32 $0x108;
	s8 =	sld [smem:$0x3FB3]  }
0x2e: {  	s3 =	simm.s32 @!p0 $0x1082;
	s9 =	sld [smem:$0x3FB4]  }
0x2f: {  	lr =	sadd.s32 s0, s3;
	s0 =	sld [smem:$0x3FAB]  }
0x30: {  	s3 =	sld [smem:$0x3FAE]  }
0x31: {  	[smem:$0x3FB7] =	sst s10  }
0x32: {  	s10 =	sld [smem:$0x3FB5];
	_ =	sdelay $0x3  }
0x33: {  	p0 =	seq.s32 s10, $0x1;
	s10 =	sld [smem:$0x3FB7];
	_ =	sdelay $0x3  }
0x34: {  	[smem:$0x3FB7] =	sst s10  }
0x35: {  	s10 =	sld [smem:$0x3FB6];
	_ =	sdelay $0x3  }
0x36: {  	p1 =	seq.s32 s10, $0x1;
	s10 =	sld [smem:$0x3FB7];
	_ =	sdelay $0x3  }
0x37: {  	[smem:$0x3FB7] =	sst s10  }
0x38: {  	s10 =	sld [smem:$0x3FB8]  }
0x39: {  	_ = 	snop;
	(pc) =	sbr.ind lr, $3  }
0x3a: {  	_ = 	snop  }
0x3b: {  	_ = 	snop  }
0x3c: {  	p2 =	seq.s32 s10, $0x1;
	s10 =	sld [smem:$0x3FB7]  }
0x3d: {  	_ =	shalt  }
0x3e: {  	_ =	shalt  }
0x3f: {  	_ =	shalt  }
0x40: {  	_ =	shalt  }
0x41: {  	_ =	shalt  }
0x42: {  	_ =	shalt  }
0x43: {  	_ =	shalt  }
0x44: {  	_ =	shalt  }
0x45: {  	_ =	shalt  }
0x46: {  	_ =	shalt  }
0x47: {  	_ =	shalt  }
0x48: {  	_ =	shalt  }
0x49: {  	_ =	shalt  }
0x4a: {  	_ =	shalt  }
0x4b: {  	_ =	shalt  }
0x4c: {  	_ =	shalt  }
0x4d: {  	_ =	shalt  }
0x4e: {  	_ =	shalt  }
0x4f: {  	_ =	shalt  }
0x50: {  	_ =	shalt  }
0x51: {  	_ =	shalt  }
0x52: {  	_ =	shalt  }
0x53: {  	_ =	shalt  }
0x54: {  	_ =	shalt  }
0x55: {  	_ =	shalt  }
0x56: {  	_ =	shalt  }
0x57: {  	_ =	shalt  }
0x58: {  	_ =	shalt  }
0x59: {  	_ =	shalt  }
0x5a: {  	_ =	shalt  }
0x5b: {  	_ =	shalt  }
0x5c: {  	_ =	shalt  }
0x5d: {  	_ =	shalt  }
0x5e: {  	_ =	shalt  }
0x5f: {  	_ =	shalt  }
0x60: {  	_ =	shalt  }
0x61: {  	_ =	shalt  }
0x62: {  	_ =	shalt  }
0x63: {  	_ =	shalt  }
0x64: {  	_ =	shalt  }
0x65: {  	_ =	shalt  }
0x66: {  	_ =	shalt  }
0x67: {  	_ =	shalt  }
0x68: {  	_ =	shalt  }
0x69: {  	_ =	shalt  }
0x6a: {  	_ =	shalt  }
0x6b: {  	_ =	shalt  }
0x6c: {  	_ =	shalt  }
0x6d: {  	_ =	shalt  }
0x6e: {  	_ =	shalt  }
0x6f: {  	_ =	shalt  }
0x70: {  	_ =	shalt  }
0x71: {  	_ =	shalt  }
0x72: {  	_ =	shalt  }
0x73: {  	_ =	shalt  }
0x74: {  	_ =	shalt  }
0x75: {  	_ =	shalt  }
0x76: {  	_ =	shalt  }
0x77: {  	_ =	shalt  }
0x78: {  	_ =	shalt  }
0x79: {  	_ =	shalt  }
0x7a: {  	_ =	shalt  }
0x7b: {  	_ =	shalt  }
0x7c: {  	_ =	shalt  }
0x7d: {  	_ =	shalt  }
0x7e: {  	_ =	shalt  }
0x7f: {  	_ =	shalt  }
0x80: {  	_ =	shalt  }
0x81: {  	_ =	shalt  }
0x82: {  	_ =	shalt  }
0x83: {  	_ =	shalt  }
0x84: {  	_ =	shalt  }
0x85: {  	_ =	shalt  }
0x86: {  	_ =	shalt  }
0x87: {  	_ =	shalt  }
.Lfunc_end0:
.L_simem_size_0:
called_computation_lowered:
.L_overlay_start_0:
0x88: {  	s2 =	sld [smem:$0x3FD9]  }
0x89: {  	s3 =	sld [smem:$0x3FFE];
	_ =	sdelay $0x1  }
0x8a: {  	s1 =	srdreg.scid  }
0x8b: {  	s0 =	sand.u32 $0x1, s1  }
0x8c: {  	s17 =	sshll.u32 s0, $0xA;
	s2 =	sadd.s32 s3, s2  }
0x8d: {  	s2 =	sadd.s32 s2, s17  }
0x8e: {  	[smem:$0x3FC3] =	sst s2  }
0x8f: {  	_ = 	snop  }
0x90: {  	s2 =	sld [smem:$0x3FC6]  }
0x91: {  	s18 =	sld [smem:$0x3FD0];
	(tm) =	ssettm $0x1  }
0x92: {  	s4 =	sld [smem:$0x3FFB];
	_ =	sdelay $0x3  }
0x93: {  	_ =	strace s4  }
0x94: {  	s4 =	sld [smem:$0x3FFC];
	_ =	sdelay $0x3  }
0x95: {  	_ =	strace s4  }
0x96: {  	s4 =	sld [smem:$0x3FFD];
	_ =	sdelay $0x3  }
0x97: {  	_ =	strace s4  }
0x98: {  	_ =	strace $0x8FFFFFFF  }
0x99: {  	s19 =	sld [smem:$0x3FDB];
	_ =	sdelay $0x1  }
0x9a: {  	s5 =	simm.s32 $_scs_section_size  }
0x9b: {  	s6 =	simm.s32 $_size__tile_overlayer_lowered;
	s7 =	simm.s32 $_tile_overlayer_lowered  }
0x9c: {  	s22 =	simm.s32 $0x1BFF;
	s21 =	sshll.u32 s7, $0x1;
	s4 =	sadd.s32 s5, s19  }
0x9d: {  	s8 =	simm.s32 $0x0;
	s20 =	sshll.u32 s6, $0x1;
	s6 =	sadd.s32 s21, s4  }
0x9e: {  	[timem:s8], [sflag:s22] =	dma.local [hbm:s6], s20  }
0x9f: {  	_ =	swait.ge [sflag:s22], s20  }
0xa0: {  	s5 =	ssub.s32 $0x0, s20;
	[sflag:s22] =	ssyncset.done $0x0  }
0xa1: {  	[sflag:s22] =	ssyncadd.s32 s5;
	_ =	sdelay $0x1  }
0xa2: {  	s23 =	simm.s32 $0x1B8B  }
0xa3: {  	_ =	swait.ge [sflag:s23], $0x1  }
0xa4: {  	[sflag:s23] =	ssyncset.done $0x0  }
0xa5: {  	s25 =	simm.s32 $0x1B8E;
	s24 =	sld [smem:$0x3FFE];
	[sflag:s23] =	ssyncadd.s32 $0xFFFFFFFF  }
0xa6: {  	s26 =	simm.s32 $execute0_lowered;
	[smem:$0x3FD2] =	sst s25  }
0xa7: {  	s6 =	sshll.u32 s26, $0x1;
	_ =	strace $0x80000046;
	[dreg:$0x1] =	wrdreg $0xFFFFFFFF  }
0xa8: {  	s28 =	simm.s32 $_size_execute0_lowered;
	s4 =	sadd.s32 s4, s6;
	[dreg:$0x0] =	wrdreg $0x0  }
0xa9: {  	s6 =	sshll.u32 s28, $0x1;
	[dreg:$0x2] =	wrdreg s4  }
0xaa: {  	[dreg:$0x3] =	wrdreg s6  }
0xab: {  	[dreg:$0x4] =	wrdreg $0xC0  }
0xac: {  	_ =	task [dreg:s8], $0x5FFFF  }
0xad: {  	[dreg:$0x1] =	wrdreg $0xFFFFFFFF  }
0xae: {  	[dreg:$0x0] =	wrdreg $0x60  }
0xaf: {  	[dreg:$0x2] =	wrdreg s24  }
0xb0: {  	[dreg:$0x3] =	wrdreg s2  }
0xb1: {  	[dreg:$0x4] =	wrdreg s18  }
0xb2: {  	[dreg:$0x5] =	wrdreg $0x9  }
0xb3: {  	_ =	task.clear_ibuf [dreg:s8], $0x6FFFF;
	_ =	strace $0x90000046  }
0xb4: {  	s29 =	simm.s32 $0x9;
	_ =	strace $0x80000048  }
0xb5: {  	_ =	swait.ge [sflag:s29], $0x1  }
0xb6: {  	[sflag:s29] =	ssyncadd.s32 $0xFFFFFFFF  }
0xb7: {  	_ =	strace $0x90000048  }
0xb8: {  	_ =	sfence  }
0xb9: {  	s30 =	sld [smem:$0x0];
	_ =	sdelay $0x2  }
0xba: {  	s31 =	sshll.u32 s1, $0xD;
	s1 =	sshrl.u32 s1, $0x2  }
0xbb: {  	s3 =	sand.u32 $0x4000, s31;
	s1 =	sadd.s32 s1, s30  }
0xbc: {  	s0 =	sor.u32 s3, s0;
	s1 =	sshll.u32 s1, $0x11  }
0xbd: {  	s0 =	sor.u32 s1, s0  }
0xbe: {  	s0 =	sadd.s32 $0x8F2B, s0  }
0xbf: {  	[sflag:s0] =	ssyncadd.remote.s32 $0x1  }
0xc0: {  	_ =	sfence.sel $0xFFFF  }
0xc1: {  	[dreg:$0x0] =	wrdreg $0xFFFFFFFF;
	(pc) =	sbr.abs _section_cstart, $3  }
0xc2: {  	[dreg:$0x1] =	wrdreg $0xFFFFFFFF  }
0xc3: {  	_ =	task.clear_ibuf [dreg:s8], $0x2FFFF;
	_ =	strace $0x9FFFFFFF  }
0xc4: {  	(tm) =	ssettm $0x7FFFFFFF  }
0xc5: {  	_ =	shalt  }
tec
execute0_lowered:
.L_overlay_start_1:
0x0: {  	(tag) =	ssettag $0x1  }
0x1: {  	s0 =	rddreg [dreg:$0x0]  }
0x2: {  	s1 =	rddreg [dreg:$0x1]  }
0x3: {  	s2 =	rddreg [dreg:$0x2];
	s3 =	simm.s32 $0x0  }
0x4: {  	s5 =	srdreg.scid;
	s10 =	stileid.u32;
	s12 =	simm.s32 $0x400  }
0x5: {  	s13 =	simm.s32 $0x3;
	s15 =	simm.s32 $0x2880;
	s16 =	simm.s32 $0x5000  }
0x6: {  	s17 =	simm.s32 $0x7780;
	s18 =	simm.s32 $0x9F00;
	s19 =	simm.s32 $0xC680  }
0x7: {  	s20 =	simm.s32 $0xEE00;
	s21 =	simm.s32 $0x11580;
	s22 =	simm.s32 $0x1  }
0x8: {  	s23 =	simm.s32 $0x13D00;
	s24 =	simm.s32 $0x2;
	s25 =	simm.s32 $0x17D00  }
0x9: {  	s26 =	simm.s32 $0x0;
	[smem:$0x7FF] =	sst s3;
	s4 =	sadd.s32 $0x6800, s0  }
0xa: {  	s7 =	sand.u32 $0x1, s5;
	s8 =	sshll.u32 s10, $0x1;
	s5 =	sadd.s32 $0x3600, s0  }
0xb: {  	s6 =	sadd.s32 $0x400, s0;
	s10 =	sshll.u32 s10, $0x10;
	s8 =	sor.u32 s7, s8  }
0xc: {  	_ =	strace $0x80000047;
	s9 =	sshll.u32 s8, $0x8;
	s8 =	sshll.u32 s8, $0x7  }
0xd: {  	s11 =	sand.u32 $0x1800, s9;
	s8 =	sand.u32 $0x380, s8;
	s9 =	sor.u32 s10, s9  }
0xe: {  	s7 =	ssub.s32 $0x2, s7;
	s8 =	sor.u32 s8, s11;
	s9 =	sand.u32 $0xE0300, s9  }
0xf: {  	s31 =	sshrl.u32 s7, $0x1;
	s8 =	sshrl.u32 s8, $0x3;
	s9 =	sshrl.u32 s9, $0x3  }
0x10: {  	s10 =	ssub.s32 s7, s31;
	s7 =	sadd.s32 s0, s8;
	s8 =	sadd.s32 s2, s9  }
0x11: {  	v0 =	vimm.f32 $0.0e+00;
	s10 =	smax.u32 s10, $0x1;
	s11 =	simm.s32 $0x80;
	s9 =	sadd.s32 $0x10, s8  }
.LBB2_1:
0x12: {  	[tilespmem:s3], [sflag:$0x3] =	stream.strided.gather [hbm4b:s7+s11], $0x100, s12, s11, $0x38;
	[tilespmem:$0x1BD00] =	vst v63  }
0x13: {  	_ =	swait.ge [sflag:s13], $0x100  }
0x14: {  	[sflag:s13] =	ssyncset.done $0x0  }
0x15: {  	[sflag:s13] =	ssyncadd.s32 $0xFFFFFF00  }
0x16: {  	v1 =	vld [tilespmem:$0x0]  }
0x17: {  	v2 =	vld [tilespmem:$0x10]  }
0x18: {  	v3 =	vld [tilespmem:$0x20]  }
0x19: {  	v4 =	vld [tilespmem:$0x30]  }
0x1a: {  	v5 =	vld [tilespmem:$0x40]  }
0x1b: {  	v6 =	vld [tilespmem:$0x50]  }
0x1c: {  	v7 =	vld [tilespmem:$0x60]  }
0x1d: {  	v8 =	vld [tilespmem:$0x70]  }
0x1e: {  	v9 =	vld [tilespmem:$0x80]  }
0x1f: {  	v10 =	vld [tilespmem:$0x90]  }
0x20: {  	v11 =	vld [tilespmem:$0xA0]  }
0x21: {  	v12 =	vld [tilespmem:$0xB0]  }
0x22: {  	v13 =	vld [tilespmem:$0xC0]  }
0x23: {  	v14 =	vld [tilespmem:$0xD0]  }
0x24: {  	s0 =	simm.s32 $0x13D20;
	v15 =	vld [tilespmem:$0xE0]  }
0x25: {  	v16 =	vld [tilespmem:$0xF0];
	[tilespmem:s0+$0xFFFFFFE0] =	vst v0  }
0x26: {  	[tilespmem:s0+$0x10] =	vst v0  }
0x27: {  	s2 =	simm.s32 $0x0;
	[tilespmem:s0+$0x0] =	vst v0  }
.LBB2_2:
0x28: {  	s2 =	sadd.s32 $0x4, s2  }
0x29: {  	[tilespmem:s0+$0xFFFFFFF0] =	vst v0;
	s0 =	sadd.s32 $0x40, s0;
	p0 =	slt.u32 s2, $0x7FC  }
.Ltmp0:
0x2a: {  	[tilespmem:s0+$0xFFFFFFE0] =	vst v0;
	(pc) =	sbr.rel @p0 .LBB2_2-.Ltmp0, $3  }
0x2b: {  	_ =	sdelay $0x1  }
0x2c: {  	[tilespmem:s0+$0x10] =	vst v0  }
0x2d: {  	[tilespmem:s0+$0x0] =	vst v0  }
0x2e: {  	[tilespmem:s0+$0xFFFFFFF0] =	vst v0;
	s28 =	simm.s32 $0x0;
	s31 =	simm.s32 $0x100  }
0x2f: {  	[tilespmem:s31], [sflag:$0x1] =	stream.linear.gather [hbm4b:s4+s28], $0x2710, $0x38;
	[tilespmem:$0x1BD00] =	vst v63  }
0x30: {  	_ = 	snop  }
0x31: {  	[tilespmem:s15], [sflag:$0x1] =	stream.linear.gather [hbm4b:s5+s28], $0x2710, $0x38;
	[tilespmem:$0x1BD00] =	vst v63  }
0x32: {  	_ = 	snop  }
0x33: {  	[tilespmem:s16], [sflag:$0x1] =	stream.linear.gather [hbm4b:s6+s28], $0x2710, $0x38;
	[tilespmem:$0x1BD00] =	vst v63  }
0x34: {  	_ = 	snop  }
0x35: {  	[tilespmem:s17], [sflag:$0x1] =	stream.linear.gather [hbm4b:s1+s28], $0x2710, $0x38;
	[tilespmem:$0x1BD00] =	vst v63  }
.LBB2_4:
0x36: {  	s29 =	smul.u32 $0x4E20, s28;
	_ =	sdelay $0x1  }
0x37: {  	s0 =	sshrl.u32 s29, $0x3  }
0x38: {  	s0 =	sadd.s32 $0x4E2, s0  }
0x39: {  	s2 =	sadd.s32 s4, s0  }
0x3a: {  	[tilespmem:s18], [sflag:$0x2] =	stream.linear.gather [hbm4b:s2+s3], $0x2710, $0x38;
	[tilespmem:$0x1BD00] =	vst v63  }
0x3b: {  	s14 =	sadd.s32 s5, s0  }
0x3c: {  	[tilespmem:s19], [sflag:$0x2] =	stream.linear.gather [hbm4b:s14+s3], $0x2710, $0x38;
	[tilespmem:$0x1BD00] =	vst v63  }
0x3d: {  	s14 =	sadd.s32 s6, s0  }
0x3e: {  	[tilespmem:s20], [sflag:$0x2] =	stream.linear.gather [hbm4b:s14+s3], $0x2710, $0x38;
	[tilespmem:$0x1BD00] =	vst v63  }
0x3f: {  	s0 =	sadd.s32 s1, s0  }
0x40: {  	[tilespmem:s21], [sflag:$0x2] =	stream.linear.gather [hbm4b:s0+s3], $0x2710, $0x38;
	[tilespmem:$0x1BD00] =	vst v63  }
0x41: {  	_ =	swait.ge [sflag:s22], $0x2710  }
0x42: {  	[sflag:s22] =	ssyncset.done $0x0  }
0x43: {  	[sflag:s22] =	ssyncadd.s32 $0xFFFFD8F0  }
0x44: {  	_ =	swait.ge [sflag:s22], $0x2710  }
0x45: {  	[sflag:s22] =	ssyncset.done $0x0  }
0x46: {  	[sflag:s22] =	ssyncadd.s32 $0xFFFFD8F0  }
0x47: {  	_ =	swait.ge [sflag:s22], $0x2710  }
0x48: {  	[sflag:s22] =	ssyncset.done $0x0  }
0x49: {  	[sflag:s22] =	ssyncadd.s32 $0xFFFFD8F0  }
0x4a: {  	_ =	swait.ge [sflag:s22], $0x2710  }
0x4b: {  	[sflag:s22] =	ssyncset.done $0x0  }
0x4c: {  	s0 =	simm.s32 $0x2890;
	[sflag:s22] =	ssyncadd.s32 $0xFFFFD8F0  }
0x4d: {  	s2 =	simm.s32 $0x110;
	v17 =	vld [tilespmem:s0+$0xFFFFFFF0]  }
0x4e: {  	v18 =	vld [tilespmem:s2+$0xFFFFFFF0];
	_ =	sdelay $0x1  }
0x4f: {  	s14 =	simm.s32 $0x5010  }
0x50: {  	v19 =	vld [tilespmem:s14+$0x0]  }
0x51: {  	v21 =	vld [tilespmem:s14+$0xFFFFFFF0]  }
0x52: {  	v24 =	vld [tilespmem:s0+$0x0];
	v20 =	vmul.f32 v17, v10;
	v22 =	vmul.f32 v18, v9  }
0x53: {  	v23 =	vmul.f32 v18, v12;
	v25 =	vmul.f32 v17, v13  }
0x54: {  	v26 =	vmul.f32 v18, v4;
	v18 =	vmul.f32 v18, v1  }
0x55: {  	v27 =	vmul.f32 v17, v2;
	v29 =	vmul.f32 v19, v6  }
0x56: {  	v28 =	vld [tilespmem:s2+$0x0];
	v17 =	vmul.f32 v17, v5;
	v31 =	vmul.f32 v19, v14  }
0x57: {  	v30 =	vmul.f32 v21, v14;
	v33 =	vmul.f32 v24, v5  }
0x58: {  	v18 =	vadd.f32 v27, v18;
	v27 =	vmul.f32 v21, v3;
	v23 =	vadd.f32 v25, v23  }
0x59: {  	v25 =	vmul.f32 v24, v10;
	v17 =	vadd.f32 v17, v26;
	v26 =	vmul.f32 v21, v6  }
0x5a: {  	v20 =	vadd.f32 v20, v22;
	v22 =	vmul.f32 v24, v2;
	v21 =	vmul.f32 v21, v11  }
0x5b: {  	v18 =	vadd.f32 v27, v18;
	v27 =	vmul.f32 v28, v1;
	v17 =	vadd.f32 v26, v17  }
0x5c: {  	v23 =	vadd.f32 v30, v23;
	v26 =	vmul.f32 v28, v4;
	v20 =	vadd.f32 v21, v20  }
0x5d: {  	v30 =	vmul.f32 v28, v9;
	v18 =	vadd.f32 v18, v7;
	v22 =	vadd.f32 v22, v27  }
0x5e: {  	v32 =	vmul.f32 v19, v3;
	v17 =	vadd.f32 v17, v8;
	v23 =	vadd.f32 v23, v16  }
0x5f: {  	v19 =	vmul.f32 v19, v11;
	v26 =	vadd.f32 v33, v26;
	v25 =	vadd.f32 v25, v30  }
0x60: {  	v18 =	vmax.f32 v18, $0.0e+00;
	v22 =	vadd.f32 v32, v22;
	v17 =	vmax.f32 v17, $0.0e+00  }
0x61: {  	v26 =	vadd.f32 v29, v26;
	v23 =	vmax.f32 v23, $0.0e+00;
	v18 =	vmin.f32 v18, $1.260000000e+02  }
0x62: {  	v17 =	vmin.f32 v17, $1.260000000e+02;
	v60 =	vmin.f32 v23, $1.260000000e+02;
	v27 =	vtrunc.f32 v18  }
0x63: {  	v21 =	vtrunc.f32 v17;
	v22 =	vadd.f32 v22, v7;
	v27 =	vcvt.f32.s32 v27  }
0x64: {  	s30 =	simm.s32 $0x7790;
	v23 =	vtrunc.f32 v60;
	v26 =	vadd.f32 v26, v8;
	v30 =	vcvt.f32.s32 v21  }
0x65: {  	v34 =	vld [tilespmem:s30+$0xFFFFFFF0];
	v61 =	vcvt.f32.s32 v23;
	v21 =	vmax.f32 v22, $0.0e+00;
	v29 =	vcvt.s32.f32 v27  }
0x66: {  	v22 =	vmax.f32 v26, $0.0e+00;
	v26 =	vshll.u32 v30, $0x7;
	v21 =	vmin.f32 v21, $1.260000000e+02  }
0x67: {  	v36 =	vadd.s32 v27, v26;
	v26 =	vcvt.s32.f32 v30;
	v18 =	vsub.f32 v18, v29  }
0x68: {  	v37 =	vcvt.s32.f32 v61;
	v39 =	vtrunc.f32 v21;
	v29 =	vand.u32 $0x7F, v27  }
0x69: {  	v40 =	vadd.s32 $0x1, v36;
	v30 =	vsub.f32 v17, v26;
	v35 =	vsub.f32 $1.000000000e+00, v18  }
0x6a: {  	v23 =	vmul.f32 v18, v34;
	v18 =	vadd.f32 v20, v15;
	v20 =	vmin.f32 v22, $1.260000000e+02  }
0x6b: {  	v32 =	vsub.f32 v60, v37;
	v22 =	vtrunc.f32 v20;
	v41 =	vsub.f32 $1.000000000e+00, v30  }
0x6c: {  	v35 =	vmul.f32 v35, v34;
	v18 =	vmax.f32 v18, $0.0e+00;
	v22 =	vcvt.f32.s32 v22  }
0x6d: {  	v38 =	vmin.f32 v18, $1.260000000e+02;
	v18 =	vadd.f32 v19, v25;
	v19 =	vand.u32 $0xFFFFFF80, v36  }
0x6e: {  	v43 =	vmul.f32 v41, v23;
	v25 =	vcvt.s32.f32 v22;
	v22 =	vshll.u32 v22, $0x7  }
0x6f: {  	v17 =	vor.u32 v29, v19;
	v19 =	vtrunc.f32 v38;
	v41 =	vmul.f32 v35, v41  }
0x70: {  	v35 =	vmul.f32 v35, v30;
	v18 =	vadd.f32 v18, v15;
	v42 =	vcvt.f32.s32 v19  }
0x71: {  	v29 =	vadd.s32 $0x80, v17;
	v17 =	vmul.f32 v24, v13;
	v24 =	vshll.u32 v61, $0x7  }
0x72: {  	v20 =	vsub.f32 v20, v25;
	v25 =	vmul.f32 v28, v12;
	v26 =	vcvt.s32.f32 v42  }
0x73: {  	[tilespmem:v36+s23+$0x0] =	vst.idx.add.f32.msk $0xffff, v41;
	v36 =	vadd.s32 $0x81, v36;
	v18 =	vmax.f32 v18, $0.0e+00;
	v28 =	vadd.s32 v24, v42  }
0x74: {  	v62 =	vand.u32 $0x7F, v42;
	v17 =	vadd.f32 v17, v25;
	v25 =	vsub.f32 v38, v26  }
0x75: {  	v19 =	vmin.f32 v18, $1.260000000e+02;
	v24 =	vadd.s32 $0x4000, v28;
	v18 =	vadd.s32 $0x4081, v28  }
0x76: {  	v27 =	vtrunc.f32 v19;
	v63 =	vadd.f32 v31, v17;
	v17 =	vsub.f32 $1.000000000e+00, v25  }
0x77: {  	v26 =	vadd.s32 $0x4001, v28;
	v28 =	vand.u32 $0xFFFFFF80, v24;
	v38 =	vsub.f32 $1.000000000e+00, v32  }
0x78: {  	v28 =	vor.u32 v62, v28;
	v31 =	vcvt.f32.s32 v39;
	v37 =	vmul.f32 v17, v34  }
0x79: {  	s31 =	simm.s32 $0x0;
	[tilespmem:v40+s23+$0x0] =	vst.idx.add.f32.msk $0xffff, v43;
	v33 =	vmul.f32 v25, v34;
	v28 =	vadd.s32 $0x80, v28;
	v39 =	vadd.f32 v63, v16  }
0x7a: {  	s0 =	simm.s32 $0x5030;
	s2 =	simm.s32 $0x28B0;
	s14 =	simm.s32 $0x130;
	v25 =	vsub.f32 $1.000000000e+00, v20;
	v40 =	vcvt.s32.f32 v31;
	v17 =	vld [tilespmem:s30+$0x0];
	v34 =	vmul.f32 v37, v38  }
.LBB2_5:
0x7b: {  	v41 =	vld [tilespmem:s2+$0xFFFFFFF0];
	s31 =	sadd.s32 $0x2, s31;
	v38 =	vmul.f32 v38, v33;
	v37 =	vmul.f32 v37, v32;
	v39 =	vmax.f32 v39, $0.0e+00;
	s30 =	sadd.s32 $0x20, s30  }
0x7c: {  	v23 =	vmul.f32 v23, v30;
	v42 =	vld [tilespmem:s14+$0xFFFFFFF0];
	p0 =	slt.u32 s31, $0x26E;
	v21 =	vsub.f32 v21, v40;
	v30 =	vmin.f32 v39, $1.260000000e+02  }
0x7d: {  	v32 =	vmul.f32 v33, v32;
	v39 =	vld [tilespmem:s0+$0x0];
	v33 =	vtrunc.f32 v30  }
0x7e: {  	[tilespmem:v29+s23+$0x0] =	vst.idx.add.f32.msk $0xffff, v35;
	v29 =	vsub.f32 $1.000000000e+00, v21;
	v33 =	vcvt.f32.s32 v33  }
0x7f: {  	v21 =	vmul.f32 v21, v17;
	v35 =	vcvt.f32.s32 v27;
	[tilespmem:v36+s23+$0x0] =	vst.idx.add.f32.msk $0xffff, v23;
	v23 =	vand.u32 $0x7F, v31  }
0x80: {  	v36 =	vmul.f32 v41, v10;
	[tilespmem:v24+s23+$0x0] =	vst.idx.add.f32.msk $0xffff, v34;
	v27 =	vmul.f32 v29, v17;
	v29 =	vshll.u32 v33, $0x7  }
0x81: {  	v22 =	vadd.s32 v31, v22;
	v31 =	vmul.f32 v21, v20;
	v34 =	vmul.f32 v42, v9;
	v24 =	vld [tilespmem:s2+$0x0]  }
0x82: {  	v45 =	vadd.s32 $0x1, v22;
	v44 =	vmul.f32 v41, v13;
	v43 =	vmul.f32 v42, v12;
	v40 =	vld [tilespmem:s0+$0xFFFFFFF0]  }
0x83: {  	v29 =	vadd.s32 v29, v35;
	v46 =	vmul.f32 v27, v25;
	v20 =	vmul.f32 v27, v20  }
0x84: {  	v21 =	vmul.f32 v25, v21;
	v47 =	vmul.f32 v42, v4;
	v25 =	vand.u32 $0xFFFFFF80, v22  }
0x85: {  	v48 =	vadd.s32 $0x81, v22;
	v49 =	vcvt.s32.f32 v35;
	v42 =	vmul.f32 v42, v1  }
0x86: {  	v50 =	vmul.f32 v41, v2;
	v43 =	vadd.f32 v44, v43;
	v27 =	vld [tilespmem:s14+$0x0]  }
0x87: {  	v44 =	vmul.f32 v39, v6;
	v23 =	vor.u32 v23, v25;
	[tilespmem:v26+s23+$0x0] =	vst.idx.add.f32.msk $0xffff, v38;
	v26 =	vcvt.s32.f32 v33  }
0x88: {  	v25 =	vmul.f32 v39, v14;
	v33 =	vadd.f32 v50, v42;
	v38 =	vmul.f32 v41, v5  }
0x89: {  	v19 =	vsub.f32 v19, v49;
	v41 =	vmul.f32 v24, v10;
	v26 =	vsub.f32 v30, v26  }
0x8a: {  	v42 =	vmul.f32 v39, v3;
	v30 =	vmul.f32 v40, v14;
	[tilespmem:v28+s23+$0x0] =	vst.idx.add.f32.msk $0xffff, v37;
	v28 =	vand.u32 $0x7F, v35  }
0x8b: {  	v34 =	vadd.f32 v36, v34;
	v36 =	vmul.f32 v19, v17;
	v35 =	vmul.f32 v24, v2  }
0x8c: {  	v39 =	vmul.f32 v39, v11;
	v38 =	vadd.f32 v38, v47;
	v37 =	vmul.f32 v40, v3  }
0x8d: {  	v49 =	vmul.f32 v24, v5;
	v47 =	vmul.f32 v40, v6;
	[tilespmem:v18+s23+$0x0] =	vst.idx.add.f32.msk $0xffff, v32;
	v18 =	vadd.s32 $0x80, v23  }
0x8e: {  	v23 =	vadd.f32 v37, v33;
	v32 =	vmul.f32 v27, v1;
	v33 =	vmul.f32 v36, v26  }
0x8f: {  	v37 =	vadd.f32 v47, v38;
	v38 =	vsub.f32 $1.000000000e+00, v26;
	v47 =	vadd.s32 $0x4081, v29  }
0x90: {  	v19 =	vsub.f32 $1.000000000e+00, v19;
	v50 =	vadd.s32 $0x4000, v29;
	v23 =	vadd.f32 v23, v7  }
0x91: {  	v40 =	vmul.f32 v40, v11;
	v30 =	vadd.f32 v30, v43;
	v43 =	vand.u32 $0xFFFFFF80, v50  }
0x92: {  	v37 =	vadd.f32 v37, v8;
	v32 =	vadd.f32 v35, v32;
	v23 =	vmax.f32 v23, $0.0e+00  }
0x93: {  	v35 =	vmul.f32 v27, v4;
	v23 =	vmin.f32 v23, $1.260000000e+02;
	[tilespmem:v22+s23+$0x0] =	vst.idx.add.f32.msk $0xffff, v46;
	v22 =	vor.u32 v28, v43  }
0x94: {  	v30 =	vadd.f32 v30, v16;
	v28 =	vtrunc.f32 v23;
	[tilespmem:v45+s23+$0x0] =	vst.idx.add.f32.msk $0xffff, v21;
	v22 =	vadd.s32 $0x80, v22  }
0x95: {  	v21 =	vadd.f32 v42, v32;
	v32 =	vmul.f32 v27, v9;
	[tilespmem:v18+s23+$0x0] =	vst.idx.add.f32.msk $0xffff, v20;
	v18 =	vadd.s32 $0x4001, v29  }
0x96: {  	v20 =	vmax.f32 v37, $0.0e+00;
	v29 =	vadd.f32 v49, v35;
	[tilespmem:v48+s23+$0x0] =	vst.idx.add.f32.msk $0xffff, v31;
	v31 =	vmul.f32 v38, v36  }
0x97: {  	v17 =	vmul.f32 v19, v17;
	v34 =	vadd.f32 v40, v34;
	v20 =	vmin.f32 v20, $1.260000000e+02  }
0x98: {  	v19 =	vcvt.f32.s32 v28;
	v28 =	vtrunc.f32 v20;
	v29 =	vadd.f32 v44, v29  }
0x99: {  	v26 =	vmul.f32 v17, v26;
	v30 =	vmax.f32 v30, $0.0e+00;
	v21 =	vadd.f32 v21, v7  }
0x9a: {  	v17 =	vmul.f32 v17, v38;
	v37 =	vmin.f32 v30, $1.260000000e+02;
	v36 =	vcvt.s32.f32 v19;
	v35 =	vld [tilespmem:s30+$0xFFFFFFF0]  }
0x9b: {  	v30 =	vtrunc.f32 v37;
	v32 =	vadd.f32 v41, v32;
	v29 =	vadd.f32 v29, v8  }
0x9c: {  	v28 =	vcvt.f32.s32 v28;
	v23 =	vsub.f32 v23, v36;
	v36 =	vand.u32 $0x7F, v19;
	[tilespmem:v50+s23+$0x0] =	vst.idx.add.f32.msk $0xffff, v17  }
0x9d: {  	v21 =	vmax.f32 v21, $0.0e+00;
	v29 =	vmax.f32 v29, $0.0e+00;
	v17 =	vcvt.f32.s32 v30;
	[tilespmem:v18+s23+$0x0] =	vst.idx.add.f32.msk $0xffff, v31  }
0x9e: {  	v21 =	vmin.f32 v21, $1.260000000e+02;
	v30 =	vsub.f32 $1.000000000e+00, v23;
	v18 =	vshll.u32 v28, $0x7;
	[tilespmem:v22+s23+$0x0] =	vst.idx.add.f32.msk $0xffff, v26  }
0x9f: {  	v22 =	vadd.f32 v34, v15;
	v26 =	vmin.f32 v29, $1.260000000e+02;
	v23 =	vmul.f32 v23, v35;
	[tilespmem:v47+s23+$0x0] =	vst.idx.add.f32.msk $0xffff, v33  }
0xa0: {  	v34 =	vadd.s32 v19, v18;
	v40 =	vmul.f32 v30, v35;
	v18 =	vtrunc.f32 v26  }
0xa1: {  	v31 =	vcvt.s32.f32 v17;
	v19 =	vmax.f32 v22, $0.0e+00;
	v18 =	vcvt.f32.s32 v18  }
0xa2: {  	v28 =	vcvt.s32.f32 v28;
	v33 =	vmin.f32 v19, $1.260000000e+02;
	v19 =	vadd.f32 v39, v32  }
0xa3: {  	v29 =	vand.u32 $0xFFFFFF80, v34;
	v32 =	vcvt.s32.f32 v18;
	v22 =	vshll.u32 v18, $0x7  }
0xa4: {  	v30 =	vsub.f32 v20, v28;
	v18 =	vor.u32 v36, v29;
	v19 =	vadd.f32 v19, v15  }
0xa5: {  	v28 =	vmul.f32 v24, v13;
	v36 =	vadd.s32 $0x1, v34;
	v29 =	vadd.s32 $0x80, v18  }
0xa6: {  	v39 =	vtrunc.f32 v21;
	v18 =	vtrunc.f32 v33;
	v19 =	vmax.f32 v19, $0.0e+00  }
0xa7: {  	v38 =	vsub.f32 $1.000000000e+00, v30;
	v41 =	vcvt.f32.s32 v18;
	v20 =	vsub.f32 v26, v32  }
0xa8: {  	v17 =	vshll.u32 v17, $0x7;
	v26 =	vmul.f32 v27, v12;
	v19 =	vmin.f32 v19, $1.260000000e+02  }
0xa9: {  	v32 =	vcvt.s32.f32 v41;
	v17 =	vadd.s32 v17, v41;
	v27 =	vtrunc.f32 v19  }
0xaa: {  	v28 =	vadd.f32 v28, v26;
	v24 =	vadd.s32 $0x4000, v17;
	v18 =	vadd.s32 $0x4081, v17  }
0xab: {  	v26 =	vadd.s32 $0x4001, v17;
	v33 =	vsub.f32 v33, v32;
	v17 =	vand.u32 $0xFFFFFF80, v24  }
0xac: {  	v42 =	vmul.f32 v38, v23;
	v41 =	vand.u32 $0x7F, v41;
	v43 =	vadd.f32 v25, v28  }
.Ltmp1:
0xad: {  	v32 =	vsub.f32 v37, v31;
	v17 =	vor.u32 v41, v17;
	v25 =	vsub.f32 $1.000000000e+00, v33;
	(pc) =	sbr.rel @p0 .LBB2_5-.Ltmp1, $4  }
0xae: {  	v41 =	vmul.f32 v40, v38;
	v33 =	vmul.f32 v33, v35;
	v28 =	vadd.s32 $0x80, v17  }
0xaf: {  	v31 =	vcvt.f32.s32 v39;
	v38 =	vsub.f32 $1.000000000e+00, v32;
	v37 =	vmul.f32 v25, v35;
	v17 =	vld [tilespmem:s30+$0x0]  }
0xb0: {  	v39 =	vadd.f32 v43, v16;
	v35 =	vmul.f32 v40, v30;
	v25 =	vsub.f32 $1.000000000e+00, v20;
	[tilespmem:v34+s23+$0x0] =	vst.idx.add.f32.msk $0xffff, v41  }
0xb1: {  	s2 =	sadd.s32 $0x20, s2;
	s0 =	sadd.s32 $0x20, s0;
	s14 =	sadd.s32 $0x20, s14;
	v40 =	vcvt.s32.f32 v31;
	[tilespmem:v36+s23+$0x0] =	vst.idx.add.f32.msk $0xffff, v42;
	v36 =	vadd.s32 $0x81, v34;
	v34 =	vmul.f32 v37, v38  }
0xb2: {  	_ =	sdelay $0x1  }
0xb3: {  	v38 =	vmul.f32 v38, v33  }
0xb4: {  	v39 =	vmax.f32 v39, $0.0e+00;
	v37 =	vmul.f32 v37, v32;
	v23 =	vmul.f32 v23, v30  }
0xb5: {  	v63 =	vmul.f32 v33, v32;
	v27 =	vcvt.f32.s32 v27;
	[tilespmem:v29+s23+$0x0] =	vst.idx.add.f32.msk $0xffff, v35;
	v29 =	vand.u32 $0x7F, v31  }
0xb6: {  	v22 =	vadd.s32 v31, v22;
	v21 =	vsub.f32 v21, v40;
	v30 =	vmin.f32 v39, $1.260000000e+02  }
0xb7: {  	v46 =	vand.u32 $0xFFFFFF80, v22;
	v42 =	vtrunc.f32 v30;
	v45 =	vcvt.s32.f32 v27  }
0xb8: {  	[tilespmem:v36+s23+$0x0] =	vst.idx.add.f32.msk $0xffff, v23;
	v23 =	vadd.s32 $0x1, v22;
	v43 =	vsub.f32 $1.000000000e+00, v21;
	v33 =	vcvt.f32.s32 v42  }
0xb9: {  	v29 =	vor.u32 v29, v46;
	v21 =	vmul.f32 v21, v17;
	v19 =	vsub.f32 v19, v45  }
0xba: {  	v39 =	vmul.f32 v43, v17;
	v44 =	vshll.u32 v33, $0x7;
	v33 =	vcvt.s32.f32 v33  }
0xbb: {  	[tilespmem:v24+s23+$0x0] =	vst.idx.add.f32.msk $0xffff, v34;
	v29 =	vadd.s32 $0x80, v29;
	v35 =	vadd.s32 v44, v27;
	v47 =	vsub.f32 $1.000000000e+00, v19  }
0xbc: {  	[tilespmem:v26+s23+$0x0] =	vst.idx.add.f32.msk $0xffff, v38;
	v27 =	vand.u32 $0x7F, v27;
	v31 =	vmul.f32 v39, v25;
	v26 =	vsub.f32 v30, v33  }
0xbd: {  	[tilespmem:v28+s23+$0x0] =	vst.idx.add.f32.msk $0xffff, v37;
	v24 =	vmul.f32 v39, v20;
	v30 =	vadd.s32 $0x81, v22;
	v28 =	vadd.s32 $0x4000, v35  }
0xbe: {  	[tilespmem:v18+s23+$0x0] =	vst.idx.add.f32.msk $0xffff, v63;
	v25 =	vmul.f32 v25, v21;
	v48 =	vand.u32 $0xFFFFFF80, v28;
	v18 =	vsub.f32 $1.000000000e+00, v26  }
0xbf: {  	[tilespmem:v22+s23+$0x0] =	vst.idx.add.f32.msk $0xffff, v31;
	v22 =	vor.u32 v27, v48;
	v27 =	vadd.s32 $0x4001, v35;
	v31 =	vmul.f32 v47, v17  }
0xc0: {  	v20 =	vmul.f32 v21, v20;
	v17 =	vmul.f32 v19, v17;
	[tilespmem:v23+s23+$0x0] =	vst.idx.add.f32.msk $0xffff, v25;
	v19 =	vadd.s32 $0x80, v22  }
0xc1: {  	v21 =	vadd.s32 $0x4081, v35;
	[tilespmem:v29+s23+$0x0] =	vst.idx.add.f32.msk $0xffff, v24;
	v22 =	vmul.f32 v31, v18  }
0xc2: {  	v18 =	vmul.f32 v18, v17;
	[tilespmem:v30+s23+$0x0] =	vst.idx.add.f32.msk $0xffff, v20  }
0xc3: {  	v20 =	vmul.f32 v31, v26;
	[tilespmem:v28+s23+$0x0] =	vst.idx.add.f32.msk $0xffff, v22  }
0xc4: {  	v17 =	vmul.f32 v17, v26;
	[tilespmem:v27+s23+$0x0] =	vst.idx.add.f32.msk $0xffff, v18  }
0xc5: {  	[tilespmem:v19+s23+$0x0] =	vst.idx.add.f32.msk $0xffff, v20  }
0xc6: {  	[tilespmem:v21+s23+$0x0] =	vst.idx.add.f32.msk $0xffff, v17  }
0xc7: {  	v17 =	vld [tilespmem:$0x2800]  }
0xc8: {  	v18 =	vld [tilespmem:$0x4F80];
	_ =	sdelay $0x1  }
0xc9: {  	v19 =	vld [tilespmem:$0x7700];
	_ =	sdelay $0x2  }
0xca: {  	v20 =	vmul.f32 v17, v1;
	v21 =	vmul.f32 v18, v2  }
0xcb: {  	v22 =	vmul.f32 v17, v4  }
0xcc: {  	v23 =	vmul.f32 v18, v5;
	v20 =	vadd.f32 v21, v20;
	v21 =	vmul.f32 v19, v3  }
0xcd: {  	v24 =	vmul.f32 v18, v10;
	v18 =	vmul.f32 v18, v13  }
0xce: {  	v20 =	vadd.f32 v21, v20;
	v21 =	vadd.f32 v23, v22;
	v22 =	vmul.f32 v19, v6  }
0xcf: {  	v23 =	vmul.f32 v17, v9;
	v17 =	vmul.f32 v17, v12  }
0xd0: {  	v20 =	vadd.f32 v20, v7;
	v21 =	vadd.f32 v22, v21  }
0xd1: {  	v17 =	vadd.f32 v18, v17  }
0xd2: {  	v18 =	vmul.f32 v19, v14;
	v20 =	vmax.f32 v20, $0.0e+00;
	v21 =	vadd.f32 v21, v8  }
0xd3: {  	v23 =	vadd.f32 v24, v23;
	v24 =	vmul.f32 v19, v11;
	v20 =	vmin.f32 v20, $1.260000000e+02  }
0xd4: {  	v17 =	vadd.f32 v18, v17;
	v22 =	vtrunc.f32 v20;
	v21 =	vmax.f32 v21, $0.0e+00  }
0xd5: {  	v22 =	vcvt.f32.s32 v22;
	v21 =	vmin.f32 v21, $1.260000000e+02  }
0xd6: {  	v23 =	vadd.f32 v24, v23;
	v17 =	vadd.f32 v17, v16;
	v25 =	vtrunc.f32 v21  }
0xd7: {  	v26 =	vcvt.s32.f32 v22;
	v25 =	vcvt.f32.s32 v25  }
0xd8: {  	v27 =	vld [tilespmem:$0x9E80];
	v23 =	vadd.f32 v23, v15;
	v17 =	vmax.f32 v17, $0.0e+00  }
0xd9: {  	v17 =	vmin.f32 v17, $1.260000000e+02;
	v20 =	vsub.f32 v20, v26;
	v19 =	vcvt.s32.f32 v25  }
0xda: {  	v28 =	vtrunc.f32 v17  }
0xdb: {  	v24 =	vsub.f32 $1.000000000e+00, v20;
	v18 =	vsub.f32 v21, v19;
	v19 =	vmax.f32 v23, $0.0e+00  }
0xdc: {  	v28 =	vcvt.f32.s32 v28;
	v19 =	vmin.f32 v19, $1.260000000e+02  }
0xdd: {  	v25 =	vshll.u32 v25, $0x7;
	v21 =	vmul.f32 v24, v27;
	v24 =	vtrunc.f32 v19  }
0xde: {  	v25 =	vadd.s32 v22, v25;
	v22 =	vand.u32 $0x7F, v22;
	v24 =	vcvt.f32.s32 v24  }
0xdf: {  	v20 =	vmul.f32 v20, v27;
	v31 =	vand.u32 $0xFFFFFF80, v25;
	v23 =	vsub.f32 $1.000000000e+00, v18  }
0xe0: {  	v30 =	vadd.s32 $0x1, v25;
	v22 =	vor.u32 v22, v31;
	v29 =	vcvt.s32.f32 v24  }
0xe1: {  	v49 =	vadd.s32 $0x81, v25;
	v22 =	vadd.s32 $0x80, v22;
	v26 =	vmul.f32 v21, v23  }
0xe2: {  	v19 =	vsub.f32 v19, v29;
	v29 =	vcvt.s32.f32 v28;
	v28 =	vshll.u32 v28, $0x7  }
0xe3: {  	v23 =	vmul.f32 v23, v20;
	v21 =	vmul.f32 v21, v18;
	v28 =	vadd.s32 v28, v24  }
0xe4: {  	v31 =	vsub.f32 $1.000000000e+00, v19;
	v17 =	vsub.f32 v17, v29;
	v29 =	vadd.s32 $0x4000, v28  }
0xe5: {  	[tilespmem:v25+s23+$0x0] =	vst.idx.add.f32.msk $0xffff, v26;
	v24 =	vand.u32 $0x7F, v24;
	v26 =	vadd.s32 $0x4001, v28;
	v50 =	vand.u32 $0xFFFFFF80, v29  }
0xe6: {  	v31 =	vmul.f32 v31, v27;
	v25 =	vsub.f32 $1.000000000e+00, v17;
	v24 =	vor.u32 v24, v50  }
0xe7: {  	v18 =	vmul.f32 v20, v18;
	[tilespmem:v30+s23+$0x0] =	vst.idx.add.f32.msk $0xffff, v23;
	v19 =	vmul.f32 v19, v27;
	v20 =	vadd.s32 $0x80, v24  }
0xe8: {  	[tilespmem:v22+s23+$0x0] =	vst.idx.add.f32.msk $0xffff, v21;
	v22 =	vadd.s32 $0x4081, v28;
	v21 =	vmul.f32 v31, v25  }
0xe9: {  	[tilespmem:v49+s23+$0x0] =	vst.idx.add.f32.msk $0xffff, v18;
	v18 =	vmul.f32 v25, v19  }
0xea: {  	p0 =	seq.s32 s28, $0x4;
	[tilespmem:v29+s23+$0x0] =	vst.idx.add.f32.msk $0xffff, v21;
	v21 =	vmul.f32 v31, v17  }
0xeb: {  	s0 =	sshrl.u32 @!p0 s29, $0x3;
	v17 =	vmul.f32 v19, v17;
	[tilespmem:v26+s23+$0x0] =	vst.idx.add.f32.msk $0xffff, v18  }
0xec: {  	s0 =	sadd.s32 @!p0 $0x9C4, s0;
	[tilespmem:v20+s23+$0x0] =	vst.idx.add.f32.msk $0xffff, v21  }
0xed: {  	s14 =	simm.s32 @!p0 $0x0;
	s29 =	simm.s32 @!p0 $0x100;
	s2 =	sadd.s32 @!p0 s4, s0;
	[tilespmem:v22+s23+$0x0] =	vst.idx.add.f32.msk $0xffff, v17  }
0xee: {  	[tilespmem:s29], [sflag:$0x1] =	stream.linear.gather @!p0 [hbm4b:s2+s14], $0x2710, $0x38;
	[tilespmem:$0x1BD00] =	vst v63  }
0xef: {  	s2 =	sadd.s32 @!p0 s5, s0;
	s29 =	simm.s32 @!p0 $0x2880  }
0xf0: {  	[tilespmem:s29], [sflag:$0x1] =	stream.linear.gather @!p0 [hbm4b:s2+s14], $0x2710, $0x38;
	[tilespmem:$0x1BD00] =	vst v63  }
0xf1: {  	s2 =	sadd.s32 @!p0 s6, s0;
	s29 =	simm.s32 @!p0 $0x5000  }
0xf2: {  	[tilespmem:s29], [sflag:$0x1] =	stream.linear.gather @!p0 [hbm4b:s2+s14], $0x2710, $0x38;
	[tilespmem:$0x1BD00] =	vst v63  }
0xf3: {  	s0 =	sadd.s32 @!p0 s1, s0;
	s2 =	simm.s32 @!p0 $0x7780  }
0xf4: {  	[tilespmem:s2], [sflag:$0x1] =	stream.linear.gather @!p0 [hbm4b:s0+s14], $0x2710, $0x38;
	[tilespmem:$0x1BD00] =	vst v63  }
0xf5: {  	_ =	swait.ge [sflag:s24], $0x2710  }
0xf6: {  	[sflag:s24] =	ssyncset.done $0x0  }
0xf7: {  	[sflag:s24] =	ssyncadd.s32 $0xFFFFD8F0  }
0xf8: {  	_ =	swait.ge [sflag:s24], $0x2710  }
0xf9: {  	[sflag:s24] =	ssyncset.done $0x0  }
0xfa: {  	[sflag:s24] =	ssyncadd.s32 $0xFFFFD8F0  }
0xfb: {  	_ =	swait.ge [sflag:s24], $0x2710  }
0xfc: {  	[sflag:s24] =	ssyncset.done $0x0  }
0xfd: {  	[sflag:s24] =	ssyncadd.s32 $0xFFFFD8F0  }
0xfe: {  	_ =	swait.ge [sflag:s24], $0x2710  }
0xff: {  	[sflag:s24] =	ssyncset.done $0x0  }
0x100: {  	s0 =	simm.s32 $0xC690;
	[sflag:s24] =	ssyncadd.s32 $0xFFFFD8F0  }
0x101: {  	s2 =	simm.s32 $0x9F10;
	v17 =	vld [tilespmem:s0+$0xFFFFFFF0]  }
0x102: {  	v18 =	vld [tilespmem:s2+$0xFFFFFFF0];
	_ =	sdelay $0x1  }
0x103: {  	s31 =	simm.s32 $0xEE10  }
0x104: {  	v19 =	vld [tilespmem:s31+$0x0];
	_ =	sdelay $0x1  }
0x105: {  	v21 =	vld [tilespmem:s31+$0xFFFFFFF0];
	v20 =	vmul.f32 v17, v10;
	v22 =	vmul.f32 v18, v9  }
0x106: {  	v24 =	vld [tilespmem:s0+$0x0];
	v23 =	vmul.f32 v18, v12;
	v25 =	vmul.f32 v17, v13  }
0x107: {  	v26 =	vmul.f32 v18, v4;
	v18 =	vmul.f32 v18, v1  }
0x108: {  	v27 =	vmul.f32 v17, v2;
	v29 =	vmul.f32 v19, v6  }
0x109: {  	v28 =	vld [tilespmem:s2+$0x0];
	v17 =	vmul.f32 v17, v5;
	v31 =	vmul.f32 v19, v14  }
0x10a: {  	v30 =	vmul.f32 v21, v14;
	v51 =	vmul.f32 v19, v3  }
0x10b: {  	v19 =	vmul.f32 v19, v11;
	v52 =	vmul.f32 v24, v5;
	v18 =	vadd.f32 v27, v18  }
0x10c: {  	v27 =	vmul.f32 v21, v3;
	v23 =	vadd.f32 v25, v23;
	v25 =	vmul.f32 v24, v10  }
0x10d: {  	v20 =	vadd.f32 v20, v22;
	v17 =	vadd.f32 v17, v26;
	v26 =	vmul.f32 v21, v6  }
0x10e: {  	v22 =	vmul.f32 v24, v2;
	v18 =	vadd.f32 v27, v18;
	v27 =	vmul.f32 v28, v1  }
0x10f: {  	v17 =	vadd.f32 v26, v17;
	v23 =	vadd.f32 v30, v23;
	v26 =	vmul.f32 v28, v4  }
0x110: {  	v21 =	vmul.f32 v21, v11;
	v18 =	vadd.f32 v18, v7;
	v22 =	vadd.f32 v22, v27  }
0x111: {  	v30 =	vmul.f32 v28, v9;
	v17 =	vadd.f32 v17, v8;
	v26 =	vadd.f32 v52, v26  }
0x112: {  	v20 =	vadd.f32 v21, v20;
	v23 =	vadd.f32 v23, v16;
	v18 =	vmax.f32 v18, $0.0e+00  }
0x113: {  	v22 =	vadd.f32 v51, v22;
	v17 =	vmax.f32 v17, $0.0e+00;
	v26 =	vadd.f32 v29, v26  }
0x114: {  	v23 =	vmax.f32 v23, $0.0e+00;
	v18 =	vmin.f32 v18, $1.260000000e+02;
	v17 =	vmin.f32 v17, $1.260000000e+02  }
0x115: {  	v54 =	vmin.f32 v23, $1.260000000e+02;
	v27 =	vtrunc.f32 v18;
	v21 =	vtrunc.f32 v17  }
0x116: {  	v22 =	vadd.f32 v22, v7;
	v23 =	vtrunc.f32 v54;
	v26 =	vadd.f32 v26, v8  }
0x117: {  	s29 =	simm.s32 $0x11590;
	v25 =	vadd.f32 v25, v30;
	v27 =	vcvt.f32.s32 v27;
	v30 =	vcvt.f32.s32 v21  }
0x118: {  	v53 =	vld [tilespmem:s29+$0xFFFFFFF0];
	v55 =	vcvt.f32.s32 v23;
	v21 =	vmax.f32 v22, $0.0e+00;
	v22 =	vmax.f32 v26, $0.0e+00  }
0x119: {  	v29 =	vcvt.s32.f32 v27;
	v26 =	vshll.u32 v30, $0x7;
	v21 =	vmin.f32 v21, $1.260000000e+02  }
0x11a: {  	v58 =	vcvt.s32.f32 v55;
	v57 =	vadd.s32 v27, v26;
	v26 =	vcvt.s32.f32 v30  }
0x11b: {  	v61 =	vtrunc.f32 v21;
	v18 =	vsub.f32 v18, v29;
	v29 =	vand.u32 $0x7F, v27  }
0x11c: {  	v60 =	vadd.s32 $0x1, v57;
	v32 =	vsub.f32 v54, v58;
	v30 =	vsub.f32 v17, v26  }
0x11d: {  	v56 =	vsub.f32 $1.000000000e+00, v18;
	v23 =	vmul.f32 v18, v53;
	v18 =	vadd.f32 v20, v15  }
0x11e: {  	v36 =	vadd.s32 $0x81, v57;
	v20 =	vmin.f32 v22, $1.260000000e+02;
	v38 =	vsub.f32 $1.000000000e+00, v32  }
0x11f: {  	v22 =	vtrunc.f32 v20;
	v41 =	vsub.f32 $1.000000000e+00, v30;
	v18 =	vmax.f32 v18, $0.0e+00  }
0x120: {  	v35 =	vmul.f32 v56, v53;
	v22 =	vcvt.f32.s32 v22;
	v59 =	vmin.f32 v18, $1.260000000e+02  }
0x121: {  	v18 =	vadd.f32 v19, v25;
	v19 =	vand.u32 $0xFFFFFF80, v57;
	v43 =	vmul.f32 v41, v23  }
0x122: {  	v25 =	vcvt.s32.f32 v22;
	v17 =	vor.u32 v29, v19;
	v19 =	vtrunc.f32 v59  }
0x123: {  	v22 =	vshll.u32 v22, $0x7;
	v41 =	vmul.f32 v35, v41;
	v42 =	vcvt.f32.s32 v19  }
0x124: {  	v18 =	vadd.f32 v18, v15;
	v29 =	vadd.s32 $0x80, v17;
	v17 =	vmul.f32 v24, v13  }
0x125: {  	v20 =	vsub.f32 v20, v25;
	v25 =	vmul.f32 v28, v12;
	v26 =	vcvt.s32.f32 v42  }
0x126: {  	v35 =	vmul.f32 v35, v30;
	v24 =	vshll.u32 v55, $0x7;
	v18 =	vmax.f32 v18, $0.0e+00  }
0x127: {  	v28 =	vadd.s32 v24, v42;
	v17 =	vadd.f32 v17, v25;
	v25 =	vsub.f32 v59, v26  }
0x128: {  	v62 =	vand.u32 $0x7F, v42;
	v19 =	vmin.f32 v18, $1.260000000e+02;
	v24 =	vadd.s32 $0x4000, v28  }
0x129: {  	v18 =	vadd.s32 $0x4081, v28;
	v63 =	vadd.f32 v31, v17;
	v17 =	vsub.f32 $1.000000000e+00, v25  }
0x12a: {  	v27 =	vtrunc.f32 v19;
	v26 =	vadd.s32 $0x4001, v28;
	v28 =	vand.u32 $0xFFFFFF80, v24  }
0x12b: {  	[tilespmem:v57+s23+$0x0] =	vst.idx.add.f32.msk $0xffff, v41;
	v28 =	vor.u32 v62, v28;
	v31 =	vcvt.f32.s32 v61;
	v37 =	vmul.f32 v17, v53  }
0x12c: {  	s30 =	simm.s32 $0x0;
	[tilespmem:v60+s23+$0x0] =	vst.idx.add.f32.msk $0xffff, v43;
	v33 =	vmul.f32 v25, v53;
	v28 =	vadd.s32 $0x80, v28;
	v39 =	vadd.f32 v63, v16  }
0x12d: {  	s14 =	simm.s32 $0x9F30;
	s0 =	simm.s32 $0xEE30;
	s2 =	simm.s32 $0xC6B0;
	v25 =	vsub.f32 $1.000000000e+00, v20;
	v40 =	vcvt.s32.f32 v31;
	v17 =	vld [tilespmem:s29+$0x0];
	v34 =	vmul.f32 v37, v38  }
.LBB2_7:
0x12e: {  	v41 =	vld [tilespmem:s2+$0xFFFFFFF0];
	s30 =	sadd.s32 $0x2, s30;
	v38 =	vmul.f32 v38, v33;
	v37 =	vmul.f32 v37, v32;
	v39 =	vmax.f32 v39, $0.0e+00;
	s29 =	sadd.s32 $0x20, s29  }
0x12f: {  	v23 =	vmul.f32 v23, v30;
	v42 =	vld [tilespmem:s14+$0xFFFFFFF0];
	p0 =	slt.u32 s30, $0x26E;
	v21 =	vsub.f32 v21, v40;
	v30 =	vmin.f32 v39, $1.260000000e+02  }
0x130: {  	v32 =	vmul.f32 v33, v32;
	v39 =	vld [tilespmem:s0+$0x0];
	v33 =	vtrunc.f32 v30  }
0x131: {  	[tilespmem:v29+s23+$0x0] =	vst.idx.add.f32.msk $0xffff, v35;
	v29 =	vsub.f32 $1.000000000e+00, v21;
	v33 =	vcvt.f32.s32 v33  }
0x132: {  	v21 =	vmul.f32 v21, v17;
	v35 =	vcvt.f32.s32 v27;
	[tilespmem:v36+s23+$0x0] =	vst.idx.add.f32.msk $0xffff, v23;
	v23 =	vand.u32 $0x7F, v31  }
0x133: {  	v36 =	vmul.f32 v41, v10;
	[tilespmem:v24+s23+$0x0] =	vst.idx.add.f32.msk $0xffff, v34;
	v27 =	vmul.f32 v29, v17;
	v29 =	vshll.u32 v33, $0x7  }
0x134: {  	v22 =	vadd.s32 v31, v22;
	v31 =	vmul.f32 v21, v20;
	v34 =	vmul.f32 v42, v9;
	v24 =	vld [tilespmem:s2+$0x0]  }
0x135: {  	v45 =	vadd.s32 $0x1, v22;
	v44 =	vmul.f32 v41, v13;
	v43 =	vmul.f32 v42, v12;
	v40 =	vld [tilespmem:s0+$0xFFFFFFF0]  }
0x136: {  	v29 =	vadd.s32 v29, v35;
	v46 =	vmul.f32 v27, v25;
	v20 =	vmul.f32 v27, v20  }
0x137: {  	v21 =	vmul.f32 v25, v21;
	v47 =	vmul.f32 v42, v4;
	v25 =	vand.u32 $0xFFFFFF80, v22  }
0x138: {  	v48 =	vadd.s32 $0x81, v22;
	v49 =	vcvt.s32.f32 v35;
	v42 =	vmul.f32 v42, v1  }
0x139: {  	v50 =	vmul.f32 v41, v2;
	v43 =	vadd.f32 v44, v43;
	v27 =	vld [tilespmem:s14+$0x0]  }
0x13a: {  	v44 =	vmul.f32 v39, v6;
	v23 =	vor.u32 v23, v25;
	[tilespmem:v26+s23+$0x0] =	vst.idx.add.f32.msk $0xffff, v38;
	v26 =	vcvt.s32.f32 v33  }
0x13b: {  	v25 =	vmul.f32 v39, v14;
	v33 =	vadd.f32 v50, v42;
	v38 =	vmul.f32 v41, v5  }
0x13c: {  	v19 =	vsub.f32 v19, v49;
	v41 =	vmul.f32 v24, v10;
	v26 =	vsub.f32 v30, v26  }
0x13d: {  	v42 =	vmul.f32 v39, v3;
	v30 =	vmul.f32 v40, v14;
	[tilespmem:v28+s23+$0x0] =	vst.idx.add.f32.msk $0xffff, v37;
	v28 =	vand.u32 $0x7F, v35  }
0x13e: {  	v34 =	vadd.f32 v36, v34;
	v36 =	vmul.f32 v19, v17;
	v35 =	vmul.f32 v24, v2  }
0x13f: {  	v39 =	vmul.f32 v39, v11;
	v38 =	vadd.f32 v38, v47;
	v37 =	vmul.f32 v40, v3  }
0x140: {  	v49 =	vmul.f32 v24, v5;
	v47 =	vmul.f32 v40, v6;
	[tilespmem:v18+s23+$0x0] =	vst.idx.add.f32.msk $0xffff, v32;
	v18 =	vadd.s32 $0x80, v23  }
0x141: {  	v23 =	vadd.f32 v37, v33;
	v32 =	vmul.f32 v27, v1;
	v33 =	vmul.f32 v36, v26  }
0x142: {  	v37 =	vadd.f32 v47, v38;
	v38 =	vsub.f32 $1.000000000e+00, v26;
	v47 =	vadd.s32 $0x4081, v29  }
0x143: {  	v19 =	vsub.f32 $1.000000000e+00, v19;
	v50 =	vadd.s32 $0x4000, v29;
	v23 =	vadd.f32 v23, v7  }
0x144: {  	v40 =	vmul.f32 v40, v11;
	v30 =	vadd.f32 v30, v43;
	v43 =	vand.u32 $0xFFFFFF80, v50  }
0x145: {  	v37 =	vadd.f32 v37, v8;
	v32 =	vadd.f32 v35, v32;
	v23 =	vmax.f32 v23, $0.0e+00  }
0x146: {  	v35 =	vmul.f32 v27, v4;
	v23 =	vmin.f32 v23, $1.260000000e+02;
	[tilespmem:v22+s23+$0x0] =	vst.idx.add.f32.msk $0xffff, v46;
	v22 =	vor.u32 v28, v43  }
0x147: {  	v30 =	vadd.f32 v30, v16;
	v28 =	vtrunc.f32 v23;
	[tilespmem:v45+s23+$0x0] =	vst.idx.add.f32.msk $0xffff, v21;
	v22 =	vadd.s32 $0x80, v22  }
0x148: {  	v21 =	vadd.f32 v42, v32;
	v32 =	vmul.f32 v27, v9;
	[tilespmem:v18+s23+$0x0] =	vst.idx.add.f32.msk $0xffff, v20;
	v18 =	vadd.s32 $0x4001, v29  }
0x149: {  	v20 =	vmax.f32 v37, $0.0e+00;
	v29 =	vadd.f32 v49, v35;
	[tilespmem:v48+s23+$0x0] =	vst.idx.add.f32.msk $0xffff, v31;
	v31 =	vmul.f32 v38, v36  }
0x14a: {  	v17 =	vmul.f32 v19, v17;
	v34 =	vadd.f32 v40, v34;
	v20 =	vmin.f32 v20, $1.260000000e+02  }
0x14b: {  	v19 =	vcvt.f32.s32 v28;
	v28 =	vtrunc.f32 v20;
	v29 =	vadd.f32 v44, v29  }
0x14c: {  	v26 =	vmul.f32 v17, v26;
	v30 =	vmax.f32 v30, $0.0e+00;
	v21 =	vadd.f32 v21, v7  }
0x14d: {  	v17 =	vmul.f32 v17, v38;
	v37 =	vmin.f32 v30, $1.260000000e+02;
	v36 =	vcvt.s32.f32 v19;
	v35 =	vld [tilespmem:s29+$0xFFFFFFF0]  }
0x14e: {  	v30 =	vtrunc.f32 v37;
	v32 =	vadd.f32 v41, v32;
	v29 =	vadd.f32 v29, v8  }
0x14f: {  	v28 =	vcvt.f32.s32 v28;
	v23 =	vsub.f32 v23, v36;
	v36 =	vand.u32 $0x7F, v19;
	[tilespmem:v50+s23+$0x0] =	vst.idx.add.f32.msk $0xffff, v17  }
0x150: {  	v21 =	vmax.f32 v21, $0.0e+00;
	v29 =	vmax.f32 v29, $0.0e+00;
	v17 =	vcvt.f32.s32 v30;
	[tilespmem:v18+s23+$0x0] =	vst.idx.add.f32.msk $0xffff, v31  }
0x151: {  	v21 =	vmin.f32 v21, $1.260000000e+02;
	v30 =	vsub.f32 $1.000000000e+00, v23;
	v18 =	vshll.u32 v28, $0x7;
	[tilespmem:v22+s23+$0x0] =	vst.idx.add.f32.msk $0xffff, v26  }
0x152: {  	v22 =	vadd.f32 v34, v15;
	v26 =	vmin.f32 v29, $1.260000000e+02;
	v23 =	vmul.f32 v23, v35;
	[tilespmem:v47+s23+$0x0] =	vst.idx.add.f32.msk $0xffff, v33  }
0x153: {  	v34 =	vadd.s32 v19, v18;
	v40 =	vmul.f32 v30, v35;
	v18 =	vtrunc.f32 v26  }
0x154: {  	v31 =	vcvt.s32.f32 v17;
	v19 =	vmax.f32 v22, $0.0e+00;
	v18 =	vcvt.f32.s32 v18  }
0x155: {  	v28 =	vcvt.s32.f32 v28;
	v33 =	vmin.f32 v19, $1.260000000e+02;
	v19 =	vadd.f32 v39, v32  }
0x156: {  	v29 =	vand.u32 $0xFFFFFF80, v34;
	v32 =	vcvt.s32.f32 v18;
	v22 =	vshll.u32 v18, $0x7  }
0x157: {  	v30 =	vsub.f32 v20, v28;
	v18 =	vor.u32 v36, v29;
	v19 =	vadd.f32 v19, v15  }
0x158: {  	v28 =	vmul.f32 v24, v13;
	v36 =	vadd.s32 $0x1, v34;
	v29 =	vadd.s32 $0x80, v18  }
0x159: {  	v39 =	vtrunc.f32 v21;
	v18 =	vtrunc.f32 v33;
	v19 =	vmax.f32 v19, $0.0e+00  }
0x15a: {  	v38 =	vsub.f32 $1.000000000e+00, v30;
	v41 =	vcvt.f32.s32 v18;
	v20 =	vsub.f32 v26, v32  }
0x15b: {  	v17 =	vshll.u32 v17, $0x7;
	v26 =	vmul.f32 v27, v12;
	v19 =	vmin.f32 v19, $1.260000000e+02  }
0x15c: {  	v32 =	vcvt.s32.f32 v41;
	v17 =	vadd.s32 v17, v41;
	v27 =	vtrunc.f32 v19  }
0x15d: {  	v28 =	vadd.f32 v28, v26;
	v24 =	vadd.s32 $0x4000, v17;
	v18 =	vadd.s32 $0x4081, v17  }
0x15e: {  	v26 =	vadd.s32 $0x4001, v17;
	v33 =	vsub.f32 v33, v32;
	v17 =	vand.u32 $0xFFFFFF80, v24  }
0x15f: {  	v42 =	vmul.f32 v38, v23;
	v41 =	vand.u32 $0x7F, v41;
	v43 =	vadd.f32 v25, v28  }
.Ltmp2:
0x160: {  	v32 =	vsub.f32 v37, v31;
	v17 =	vor.u32 v41, v17;
	v25 =	vsub.f32 $1.000000000e+00, v33;
	(pc) =	sbr.rel @p0 .LBB2_7-.Ltmp2, $4  }
0x161: {  	v41 =	vmul.f32 v40, v38;
	v33 =	vmul.f32 v33, v35;
	v28 =	vadd.s32 $0x80, v17  }
0x162: {  	v31 =	vcvt.f32.s32 v39;
	v38 =	vsub.f32 $1.000000000e+00, v32;
	v37 =	vmul.f32 v25, v35;
	v17 =	vld [tilespmem:s29+$0x0]  }
0x163: {  	v39 =	vadd.f32 v43, v16;
	v35 =	vmul.f32 v40, v30;
	v25 =	vsub.f32 $1.000000000e+00, v20;
	[tilespmem:v34+s23+$0x0] =	vst.idx.add.f32.msk $0xffff, v41  }
0x164: {  	s2 =	sadd.s32 $0x20, s2;
	s0 =	sadd.s32 $0x20, s0;
	s14 =	sadd.s32 $0x20, s14;
	v40 =	vcvt.s32.f32 v31;
	[tilespmem:v36+s23+$0x0] =	vst.idx.add.f32.msk $0xffff, v42;
	v36 =	vadd.s32 $0x81, v34;
	v34 =	vmul.f32 v37, v38  }
0x165: {  	v38 =	vmul.f32 v38, v33  }
0x166: {  	v39 =	vmax.f32 v39, $0.0e+00;
	v37 =	vmul.f32 v37, v32;
	v23 =	vmul.f32 v23, v30  }
0x167: {  	v44 =	vmul.f32 v33, v32;
	v27 =	vcvt.f32.s32 v27;
	v47 =	vand.u32 $0x7F, v31  }
0x168: {  	v22 =	vadd.s32 v31, v22;
	v21 =	vsub.f32 v21, v40;
	v43 =	vmin.f32 v39, $1.260000000e+02  }
0x169: {  	v49 =	vadd.s32 $0x1, v22;
	v53 =	vand.u32 $0xFFFFFF80, v22;
	v56 =	vadd.s32 $0x81, v22  }
0x16a: {  	v45 =	vtrunc.f32 v43;
	v51 =	vcvt.s32.f32 v27;
	v46 =	vsub.f32 $1.000000000e+00, v21  }
0x16b: {  	[tilespmem:v29+s23+$0x0] =	vst.idx.add.f32.msk $0xffff, v35;
	v29 =	vor.u32 v47, v53;
	v33 =	vcvt.f32.s32 v45;
	v21 =	vmul.f32 v21, v17  }
0x16c: {  	[tilespmem:v36+s23+$0x0] =	vst.idx.add.f32.msk $0xffff, v23;
	v29 =	vadd.s32 $0x80, v29;
	v19 =	vsub.f32 v19, v51;
	v39 =	vmul.f32 v46, v17  }
0x16d: {  	[tilespmem:v24+s23+$0x0] =	vst.idx.add.f32.msk $0xffff, v34;
	v48 =	vshll.u32 v33, $0x7;
	v33 =	vcvt.s32.f32 v33;
	v54 =	vmul.f32 v25, v21  }
0x16e: {  	[tilespmem:v26+s23+$0x0] =	vst.idx.add.f32.msk $0xffff, v38;
	v35 =	vadd.s32 v48, v27;
	v58 =	vsub.f32 $1.000000000e+00, v19;
	v27 =	vand.u32 $0x7F, v27  }
0x16f: {  	[tilespmem:v28+s23+$0x0] =	vst.idx.add.f32.msk $0xffff, v37;
	v50 =	vmul.f32 v39, v25;
	v55 =	vsub.f32 v43, v33;
	v57 =	vadd.s32 $0x4000, v35  }
0x170: {  	[tilespmem:v18+s23+$0x0] =	vst.idx.add.f32.msk $0xffff, v44;
	v52 =	vmul.f32 v39, v20;
	v61 =	vadd.s32 $0x4001, v35;
	v59 =	vand.u32 $0xFFFFFF80, v57  }
0x171: {  	v62 =	vmul.f32 v58, v17;
	v18 =	vsub.f32 $1.000000000e+00, v55;
	[tilespmem:v22+s23+$0x0] =	vst.idx.add.f32.msk $0xffff, v50;
	v60 =	vor.u32 v27, v59  }
0x172: {  	v63 =	vmul.f32 v21, v20;
	v17 =	vmul.f32 v19, v17;
	[tilespmem:v49+s23+$0x0] =	vst.idx.add.f32.msk $0xffff, v54;
	v19 =	vadd.s32 $0x80, v60  }
0x173: {  	v25 =	vadd.s32 $0x4081, v35;
	[tilespmem:v29+s23+$0x0] =	vst.idx.add.f32.msk $0xffff, v52;
	v29 =	vmul.f32 v62, v18  }
0x174: {  	v18 =	vmul.f32 v18, v17;
	[tilespmem:v56+s23+$0x0] =	vst.idx.add.f32.msk $0xffff, v63  }
0x175: {  	v30 =	vmul.f32 v62, v55;
	[tilespmem:v57+s23+$0x0] =	vst.idx.add.f32.msk $0xffff, v29  }
0x176: {  	v17 =	vmul.f32 v17, v55;
	[tilespmem:v61+s23+$0x0] =	vst.idx.add.f32.msk $0xffff, v18  }
0x177: {  	[tilespmem:v19+s23+$0x0] =	vst.idx.add.f32.msk $0xffff, v30  }
0x178: {  	[tilespmem:v25+s23+$0x0] =	vst.idx.add.f32.msk $0xffff, v17  }
0x179: {  	v17 =	vld [tilespmem:$0xC600]  }
0x17a: {  	v18 =	vld [tilespmem:$0xED80]  }
0x17b: {  	v19 =	vld [tilespmem:$0x11500];
	_ =	sdelay $0x2  }
0x17c: {  	v31 =	vmul.f32 v17, v1  }
0x17d: {  	v32 =	vmul.f32 v18, v2;
	v34 =	vmul.f32 v17, v4  }
0x17e: {  	v35 =	vmul.f32 v18, v5;
	v37 =	vmul.f32 v19, v6  }
0x17f: {  	v39 =	vmul.f32 v17, v9;
	v40 =	vmul.f32 v18, v10  }
0x180: {  	v17 =	vmul.f32 v17, v12;
	v18 =	vmul.f32 v18, v13;
	v36 =	vadd.f32 v35, v34  }
0x181: {  	v33 =	vmul.f32 v19, v3;
	v20 =	vadd.f32 v32, v31  }
0x182: {  	v17 =	vadd.f32 v18, v17;
	v18 =	vmul.f32 v19, v14;
	v21 =	vadd.f32 v37, v36  }
0x183: {  	v20 =	vadd.f32 v33, v20  }
0x184: {  	v17 =	vadd.f32 v18, v17;
	v21 =	vadd.f32 v21, v8  }
0x185: {  	v43 =	vmul.f32 v19, v11;
	v23 =	vadd.f32 v40, v39  }
0x186: {  	v20 =	vadd.f32 v20, v7;
	v17 =	vadd.f32 v17, v16;
	v21 =	vmax.f32 v21, $0.0e+00  }
0x187: {  	v23 =	vadd.f32 v43, v23;
	v21 =	vmin.f32 v21, $1.260000000e+02  }
0x188: {  	v20 =	vmax.f32 v20, $0.0e+00;
	v17 =	vmax.f32 v17, $0.0e+00;
	v41 =	vtrunc.f32 v21  }
0x189: {  	v20 =	vmin.f32 v20, $1.260000000e+02;
	v17 =	vmin.f32 v17, $1.260000000e+02;
	v25 =	vcvt.f32.s32 v41  }
0x18a: {  	v38 =	vtrunc.f32 v20;
	v49 =	vtrunc.f32 v17  }
0x18b: {  	v23 =	vadd.f32 v23, v15;
	v22 =	vcvt.f32.s32 v38;
	v19 =	vcvt.s32.f32 v25  }
0x18c: {  	v28 =	vcvt.f32.s32 v49  }
0x18d: {  	v42 =	vcvt.s32.f32 v22;
	v18 =	vsub.f32 v21, v19;
	v19 =	vmax.f32 v23, $0.0e+00  }
0x18e: {  	v27 =	vld [tilespmem:$0x13C80];
	v25 =	vshll.u32 v25, $0x7;
	v53 =	vcvt.s32.f32 v28;
	v19 =	vmin.f32 v19, $1.260000000e+02  }
0x18f: {  	v28 =	vshll.u32 v28, $0x7;
	v25 =	vadd.s32 v22, v25;
	v47 =	vtrunc.f32 v19  }
0x190: {  	v22 =	vand.u32 $0x7F, v22;
	v20 =	vsub.f32 v20, v42;
	v24 =	vcvt.f32.s32 v47  }
0x191: {  	v51 =	vadd.s32 $0x1, v25;
	v52 =	vand.u32 $0xFFFFFF80, v25;
	v55 =	vadd.s32 $0x81, v25  }
0x192: {  	v17 =	vsub.f32 v17, v53;
	v44 =	vsub.f32 $1.000000000e+00, v20;
	v50 =	vcvt.s32.f32 v24  }
0x193: {  	v22 =	vor.u32 v22, v52;
	v20 =	vmul.f32 v20, v27;
	v46 =	vsub.f32 $1.000000000e+00, v18  }
0x194: {  	v22 =	vadd.s32 $0x80, v22;
	v45 =	vmul.f32 v44, v27;
	v19 =	vsub.f32 v19, v50  }
0x195: {  	v58 =	vsub.f32 $1.000000000e+00, v17;
	v23 =	vmul.f32 v46, v20;
	v28 =	vadd.s32 v28, v24  }
0x196: {  	v48 =	vmul.f32 v45, v46;
	v56 =	vadd.s32 $0x4000, v28;
	v54 =	vsub.f32 $1.000000000e+00, v19  }
0x197: {  	v24 =	vand.u32 $0x7F, v24;
	v21 =	vmul.f32 v45, v18;
	v57 =	vand.u32 $0xFFFFFF80, v56  }
0x198: {  	v59 =	vadd.s32 $0x4001, v28;
	[tilespmem:v25+s23+$0x0] =	vst.idx.add.f32.msk $0xffff, v48;
	v24 =	vor.u32 v24, v57;
	v31 =	vmul.f32 v54, v27  }
0x199: {  	s28 =	sadd.s32 $0x1, s28;
	v18 =	vmul.f32 v20, v18;
	[tilespmem:v51+s23+$0x0] =	vst.idx.add.f32.msk $0xffff, v23;
	v19 =	vmul.f32 v19, v27;
	v60 =	vadd.s32 $0x80, v24  }
0x19a: {  	p0 =	sne.s32 s28, $0x5;
	v62 =	vadd.s32 $0x4081, v28;
	[tilespmem:v22+s23+$0x0] =	vst.idx.add.f32.msk $0xffff, v21;
	v61 =	vmul.f32 v31, v58  }
.Ltmp3:
0x19b: {  	[tilespmem:v55+s23+$0x0] =	vst.idx.add.f32.msk $0xffff, v18;
	v18 =	vmul.f32 v58, v19;
	(pc) =	sbr.rel @p0 .LBB2_4-.Ltmp3, $4  }
0x19c: {  	v63 =	vmul.f32 v31, v17;
	[tilespmem:v56+s23+$0x0] =	vst.idx.add.f32.msk $0xffff, v61  }
0x19d: {  	v17 =	vmul.f32 v19, v17;
	[tilespmem:v59+s23+$0x0] =	vst.idx.add.f32.msk $0xffff, v18  }
0x19e: {  	[tilespmem:v60+s23+$0x0] =	vst.idx.add.f32.msk $0xffff, v63  }
0x19f: {  	[tilespmem:v62+s23+$0x0] =	vst.idx.add.f32.msk $0xffff, v17  }
0x1a0: {  	[hbm4b:s8+s11] =	stream.strided.scatter [tilespmem:s23], [sflag:$0x3], $0x4000, s12, s11, $0x38;
	[tilespmem:$0x1BD00] =	vst v63  }
0x1a1: {  	s26 =	sadd.s32 $0x1, s26;
	_ =	swait.ge [sflag:s13], $0x4000  }
0x1a2: {  	p0 =	sne.s32 s26, s10;
	[sflag:s13] =	ssyncset.done $0x0  }
.Ltmp4:
0x1a3: {  	[sflag:s13] =	ssyncadd.s32 $0xFFFFC000;
	(pc) =	sbr.rel @p0 .LBB2_1-.Ltmp4, $4  }
0x1a4: {  	[hbm4b:s9+s11] =	stream.strided.scatter [tilespmem:s25], [sflag:$0x3], $0x4000, s12, s11, $0x38;
	[tilespmem:$0x1BD00] =	vst v63  }
0x1a5: {  	_ =	swait.ge [sflag:s13], $0x4000  }
0x1a6: {  	[sflag:s13] =	ssyncset.done $0x0  }
0x1a7: {  	[sflag:s13] =	ssyncadd.s32 $0xFFFFC000  }
0x1a8: {  	_ =	sfence.sel $0x180000  }
0x1a9: {  	[bflag:$0x0] =	sbarrier.arrive $0xFFFF  }
0x1aa: {  	_ =	strace $0x90000047  }
0x1ab: {  	s0 =	stileid.u32;
	[bflag:$0x2] =	sbarrier.arrive $0xFFFF  }
0x1ac: {  	p0 =	sne.s32 s0, $0x0;
	s0 =	rddreg [dreg:$0x3]  }
0x1ad: {  	s0 =	sadd.s32 @!p0 $0x100000, s0  }
0x1ae: {  	[sflag:s0] =	ssyncadd.tile.s32 @!p0 $0x1;
	_ =	shalt  }
.Lfunc_end2:
_tile_overlayer_lowered:
.L_overlay_start_2:
0x1af: {  	(tag) =	ssettag $0x2  }
0x1b0: {  	s0 =	rddreg [dreg:$0x0];
	s2 =	stileid.u32  }
0x1b1: {  	s1 =	rddreg [dreg:$0x1];
	p0 =	sne.s32 s2, $0x0  }
0x1b2: {  	s3 =	rddreg [dreg:$0x2];
	[bflag:$0x3] =	sbarrier.arrive $0xFFFF;
	s2 =	simm.s32 @!p0 $0x1C03  }
0x1b3: {  	[timem:s3], [sflag:s2] =	dma.local @!p0 [hbm:s0], s1  }
0x1b4: {  	s0 =	simm.s32 @!p0 $0x3  }
0x1b5: {  	_ =	swait.ge @!p0 [sflag:s0], s1  }
0x1b6: {  	s1 =	ssub.s32 @!p0 $0x0, s1;
	[sflag:s0] =	ssyncset.done @!p0 $0x0  }
0x1b7: {  	[sflag:s0] =	ssyncadd.s32 @!p0 s1  }
0x1b8: {  	[bflag:$0x3] =	sbarrier.arrive $0xFFFF  }
0x1b9: {  	_ =	shalt  }

</sc_bundles>
